<compile_context>
chip_gen: v7x
topology: tpu7x:2x2x1
jax: 0.10.2.dev20260603
libtpu: 0.0.44.dev20260713+nightly
codegen_flags: <defaults>
</compile_context>

<pallas_src>
import functools

import jax
import jax.numpy as jnp
from jax import lax
from jax.experimental import pallas as pl
from jax.experimental.pallas import tpu as pltpu
from jax.experimental.pallas import tpu_sc as plsc

H_DIM = 768
FF_DIM = 3072
NUM_E = 8
N_TOK = 2048
NPAIR = 2 * N_TOK
T_ROW = 256
NPAD = NPAIR + NUM_E * T_ROW
NT = NPAD // T_ROW

_NC = 2
_NS = 16
NW = _NC * _NS
_CROWS = N_TOK // NW


def _router_body(x_ref, wr_ref, br_ref, i1_ref, i2_ref, w1_ref, w2_ref, loss_ref):
    x = x_ref[...]
    logits = lax.dot_general(x, wr_ref[...], (((1,), (1,)), ((), ())),
                             preferred_element_type=jnp.float32)
    logits = logits + br_ref[...]
    m = jnp.max(logits, axis=-1, keepdims=True)
    p = jnp.exp(logits - m)
    p = p / jnp.sum(p, axis=-1, keepdims=True)

    col = lax.broadcasted_iota(jnp.int32, (N_TOK, NUM_E), 1)
    m1 = jnp.max(p, axis=-1, keepdims=True)
    i1 = jnp.min(jnp.where(p == m1, col, NUM_E), axis=-1, keepdims=True)
    p2 = jnp.where(col == i1, -1.0, p)
    m2 = jnp.max(p2, axis=-1, keepdims=True)
    i2 = jnp.min(jnp.where(p2 == m2, col, NUM_E), axis=-1, keepdims=True)

    s = m1 + m2
    i1_ref[...] = i1
    i2_ref[...] = i2
    w1_ref[...] = m1 / s
    w2_ref[...] = m2 / s

    onehot = ((col == i1) | (col == i2)).astype(jnp.float32)
    util = jnp.sum(onehot, axis=0, keepdims=True) / N_TOK
    loss_ref[...] = jnp.sum((util - 1.0 / NUM_E) ** 2, axis=-1, keepdims=True)


def _run_router(x2, w_router, b_router):
    return pl.pallas_call(
        _router_body,
        out_shape=[
            jax.ShapeDtypeStruct((N_TOK, 1), jnp.int32),
            jax.ShapeDtypeStruct((N_TOK, 1), jnp.int32),
            jax.ShapeDtypeStruct((N_TOK, 1), jnp.float32),
            jax.ShapeDtypeStruct((N_TOK, 1), jnp.float32),
            jax.ShapeDtypeStruct((1, 1), jnp.float32),
        ],
    )(x2, w_router, b_router.reshape(1, NUM_E))


def _sc_dispatch(x2, pos0, pos1):
    mesh = plsc.VectorSubcoreMesh(core_axis_name="c", subcore_axis_name="s")

    @functools.partial(
        pl.kernel,
        mesh=mesh,
        out_type=jax.ShapeDtypeStruct((NPAD, H_DIM), jnp.float32),
        scratch_types=[
            pltpu.VMEM((_CROWS,), jnp.int32),
            pltpu.VMEM((_CROWS,), jnp.int32),
            pltpu.VMEM((_CROWS, H_DIM), jnp.float32),
            pltpu.SemaphoreType.DMA,
        ],
    )
    def dispatch_k(x_hbm, p0_hbm, p1_hbm, xs_hbm, i0_v, i1_v, rows_v, sem):
        wid = lax.axis_index("s") * _NC + lax.axis_index("c")
        base = wid * _CROWS
        pltpu.sync_copy(x_hbm.at[pl.ds(base, _CROWS)], rows_v)
        pltpu.sync_copy(p0_hbm.at[pl.ds(base, _CROWS)], i0_v)
        pltpu.sync_copy(p1_hbm.at[pl.ds(base, _CROWS)], i1_v)
        c0 = pltpu.async_copy(rows_v, xs_hbm.at[i0_v], sem)
        c1 = pltpu.async_copy(rows_v, xs_hbm.at[i1_v], sem)
        c0.wait()
        c1.wait()

    return dispatch_k(x2, pos0, pos1)


def _geglu_body(te_ref, chg_ref, nchg_ref, slot_ref, ne_ref,
                xs_ref, wg_hbm, bg_ref, wu_hbm, bu_ref, wd_hbm, bd_ref,
                ws_ref, out_ref, wg_v, wu_v, wd_v, sg, su, sd):
    t = pl.program_id(0)
    s = slot_ref[t]

    @pl.when(t == 0)
    def _():
        e0 = te_ref[0]
        pltpu.make_async_copy(wg_hbm.at[e0], wg_v.at[0], sg).start()
        pltpu.make_async_copy(wu_hbm.at[e0], wu_v.at[0], su).start()
        pltpu.make_async_copy(wd_hbm.at[e0], wd_v.at[0], sd).start()

    @pl.when(chg_ref[t] == 1)
    def _():
        pltpu.make_async_copy(wg_hbm.at[0], wg_v.at[s], sg).wait()
        pltpu.make_async_copy(wu_hbm.at[0], wu_v.at[s], su).wait()
        pltpu.make_async_copy(wd_hbm.at[0], wd_v.at[s], sd).wait()

    @pl.when((chg_ref[t] == 1) & (nchg_ref[t] == 1))
    def _():
        e1 = ne_ref[t]
        pltpu.make_async_copy(wg_hbm.at[e1], wg_v.at[1 - s], sg).start()
        pltpu.make_async_copy(wu_hbm.at[e1], wu_v.at[1 - s], su).start()
        pltpu.make_async_copy(wd_hbm.at[e1], wd_v.at[1 - s], sd).start()

    xg = xs_ref[...].astype(jnp.bfloat16)
    g = lax.dot_general(xg, wg_v[s], (((1,), (1,)), ((), ())),
                        preferred_element_type=jnp.float32) + bg_ref[0]
    u = lax.dot_general(xg, wu_v[s], (((1,), (1,)), ((), ())),
                        preferred_element_type=jnp.float32) + bu_ref[0]
    gelu_g = 0.5 * g * (1.0 + lax.erf(g * (2.0 ** -0.5)))
    h = (gelu_g * u).astype(jnp.bfloat16)
    part = lax.dot_general(h, wd_v[s], (((1,), (1,)), ((), ())),
                           preferred_element_type=jnp.float32)
    out_ref[...] = (part + bd_ref[0]) * ws_ref[...]


def _run_geglu(te, chg, nchg, slot, ne,
               xs, w_gate, b_gate, w_up, b_up, w_down, b_down, w_sorted):
    grid_spec = pltpu.PrefetchScalarGridSpec(
        num_scalar_prefetch=5,
        grid=(NT,),
        in_specs=[
            pl.BlockSpec((T_ROW, H_DIM), lambda t, *_: (t, 0)),
            pl.BlockSpec(memory_space=pltpu.MemorySpace.HBM),
            pl.BlockSpec((1, 1, FF_DIM), lambda t, te, *_: (te[t], 0, 0)),
            pl.BlockSpec(memory_space=pltpu.MemorySpace.HBM),
            pl.BlockSpec((1, 1, FF_DIM), lambda t, te, *_: (te[t], 0, 0)),
            pl.BlockSpec(memory_space=pltpu.MemorySpace.HBM),
            pl.BlockSpec((1, 1, H_DIM), lambda t, te, *_: (te[t], 0, 0)),
            pl.BlockSpec((T_ROW, 1), lambda t, *_: (t, 0)),
        ],
        out_specs=pl.BlockSpec((T_ROW, H_DIM), lambda t, *_: (t, 0)),
        scratch_shapes=[
            pltpu.VMEM((2, FF_DIM, H_DIM), jnp.bfloat16),
            pltpu.VMEM((2, FF_DIM, H_DIM), jnp.bfloat16),
            pltpu.VMEM((2, H_DIM, FF_DIM), jnp.bfloat16),
            pltpu.SemaphoreType.DMA,
            pltpu.SemaphoreType.DMA,
            pltpu.SemaphoreType.DMA,
        ],
    )
    return pl.pallas_call(
        _geglu_body,
        grid_spec=grid_spec,
        out_shape=jax.ShapeDtypeStruct((NPAD, H_DIM), jnp.float32),
    )(te, chg, nchg, slot, ne,
      xs, w_gate, b_gate, w_up, b_up, w_down, b_down, w_sorted)


def _sc_combine(ys, pos0, pos1):
    mesh = plsc.VectorSubcoreMesh(core_axis_name="c", subcore_axis_name="s")

    @functools.partial(
        pl.kernel,
        mesh=mesh,
        out_type=jax.ShapeDtypeStruct((N_TOK, H_DIM), jnp.float32),
        scratch_types=[
            pltpu.VMEM((_CROWS,), jnp.int32),
            pltpu.VMEM((_CROWS,), jnp.int32),
            pltpu.VMEM((_CROWS, H_DIM), jnp.float32),
            pltpu.VMEM((_CROWS, H_DIM), jnp.float32),
            pltpu.SemaphoreType.DMA,
            pltpu.SemaphoreType.DMA,
        ],
    )
    def combine_k(ys_hbm, p0_hbm, p1_hbm, out_hbm, i0_v, i1_v, a_v, b_v, s0, s1):
        wid = lax.axis_index("s") * _NC + lax.axis_index("c")
        base = wid * _CROWS
        pltpu.sync_copy(p0_hbm.at[pl.ds(base, _CROWS)], i0_v)
        pltpu.sync_copy(p1_hbm.at[pl.ds(base, _CROWS)], i1_v)
        c0 = pltpu.async_copy(ys_hbm.at[i0_v], a_v, s0)
        c1 = pltpu.async_copy(ys_hbm.at[i1_v], b_v, s1)
        c0.wait()
        c1.wait()

        def row(r, _):
            def col(c, _c):
                sl = pl.ds(c * 16, 16)
                a_v[r, sl] = a_v[r, sl] + b_v[r, sl]
                return 0
            return lax.fori_loop(0, H_DIM // 16, col, 0)

        lax.fori_loop(0, _CROWS, row, 0)
        pltpu.sync_copy(a_v, out_hbm.at[pl.ds(base, _CROWS)])

    return combine_k(ys, pos0, pos1)


def kernel(x, W_gate, b_gate, W_up, b_up, W_down, b_down, W_router, b_router):
    orig_shape = x.shape
    x2 = x.reshape(-1, H_DIM)

    i1, i2, w1, w2, loss = _run_router(x2, W_router, b_router)

    e = jnp.concatenate([i1, i2], axis=1).reshape(-1)
    wflat = jnp.concatenate([w1, w2], axis=1).reshape(-1)
    cmp = (e[:, None] == jnp.arange(NUM_E, dtype=jnp.int32)[None, :])
    counts = jnp.sum(cmp.astype(jnp.int32), axis=0)
    rank = jnp.sum((jnp.cumsum(cmp.astype(jnp.int32), axis=0) - 1)
                   * cmp.astype(jnp.int32), axis=1)
    padded = ((counts + T_ROW - 1) // T_ROW) * T_ROW
    pstart = jnp.concatenate(
        [jnp.zeros((1,), jnp.int32), jnp.cumsum(padded)[:-1].astype(jnp.int32)])
    pos = pstart[e] + rank
    w_sorted = jnp.zeros((NPAD, 1), jnp.float32).at[pos, 0].set(wflat)
    tile_base = jnp.arange(NT, dtype=jnp.int32) * T_ROW
    tile_e = jnp.clip(
        jnp.sum((tile_base[:, None] >= pstart[None, :]).astype(jnp.int32), axis=1) - 1,
        0, NUM_E - 1).astype(jnp.int32)
    pos2 = pos.reshape(N_TOK, 2)
    pos0 = pos2[:, 0]
    pos1 = pos2[:, 1]

    chg = jnp.concatenate(
        [jnp.ones((1,), jnp.int32),
         (tile_e[1:] != tile_e[:-1]).astype(jnp.int32)])
    seg = jnp.cumsum(chg) - 1
    slot = seg % 2
    seg_e = jnp.zeros((NT,), jnp.int32).at[seg].set(tile_e)
    nchg = (seg < seg[-1]).astype(jnp.int32)
    ne = seg_e[jnp.minimum(seg + 1, NT - 1)]

    xs = _sc_dispatch(x2, pos0, pos1)
    ys = _run_geglu(tile_e, chg, nchg, slot.astype(jnp.int32), ne,
                    xs, W_gate.astype(jnp.bfloat16),
                    b_gate.reshape(NUM_E, 1, FF_DIM),
                    W_up.astype(jnp.bfloat16),
                    b_up.reshape(NUM_E, 1, FF_DIM),
                    W_down.astype(jnp.bfloat16),
                    b_down.reshape(NUM_E, 1, H_DIM),
                    w_sorted)
    out = _sc_combine(ys, pos0, pos1)

    return (out.reshape(orig_shape), loss.reshape(()))

# --- scband reference (transcript-rebuilt; emitter-appended) ---
"""Pipeline reference for scband-mo-efeed-forward-7292854469022 (READ-ONLY COPY).

The authoritative reference and input builder live on the scoring server;
editing this copy changes nothing except your own understanding.
"""

import jax, jax.numpy as jnp
import numpy as np

H, FF, E, TOPK = 768, 3072, 8, 2

def setup_inputs(seed: int = 0) -> dict:
    key = jax.random.key(seed)
    ks = jax.random.split(key, 10)
    s = 0.02
    x = jax.random.normal(ks[0], (1, 2048, H), dtype=jnp.float32)
    W_gate = jax.random.normal(ks[1], (E, FF, H), dtype=jnp.float32) * s
    b_gate = jnp.zeros((E, FF), dtype=jnp.float32)
    W_up = jax.random.normal(ks[2], (E, FF, H), dtype=jnp.float32) * s
    b_up = jnp.zeros((E, FF), dtype=jnp.float32)
    W_down = jax.random.normal(ks[3], (E, H, FF), dtype=jnp.float32) * s
    b_down = jnp.zeros((E, H), dtype=jnp.float32)
    W_router = jax.random.normal(ks[4], (E, H), dtype=jnp.float32) * s
    b_router = jnp.zeros((E,), dtype=jnp.float32)
    return {"x": x, "W_gate": W_gate, "b_gate": b_gate, "W_up": W_up, "b_up": b_up,
            "W_down": W_down, "b_down": b_down, "W_router": W_router, "b_router": b_router}

def reference(x, W_gate, b_gate, W_up, b_up, W_down, b_down, W_router, b_router):
    orig_shape = x.shape
    x2 = x.reshape(-1, x.shape[-1])                      # (N, H)
    router_logits = x2 @ W_router.T + b_router           # (N, E)
    probs = jax.nn.softmax(router_logits, axis=-1)
    topw, idx = jax.lax.top_k(probs, TOPK)               # (N, k)
    topw = topw / jnp.sum(topw, axis=-1, keepdims=True)
    onehot = jax.nn.one_hot(idx, E, dtype=x2.dtype)      # (N, k, E)
    wmat = jnp.sum(onehot * topw[..., None], axis=1)     # (N, E) routing weight or 0
    maskmat = jnp.sum(onehot, axis=1)                    # (N, E) 0/1 expert mask
    # GEGLU experts, computed densely then masked/weighted (same math per routed token)
    gate = jax.nn.gelu(jnp.einsum('nh,efh->nef', x2, W_gate) + b_gate, approximate=False)
    up = jnp.einsum('nh,efh->nef', x2, W_up) + b_up
    hid = gate * up                                      # (N, E, FF)
    down = jnp.einsum('nef,ehf->neh', hid, W_down) + b_down  # (N, E, H)
    out = jnp.einsum('neh,ne->nh', down, wmat)           # (N, H)
    utilization = jnp.mean(maskmat, axis=0)              # (E,)
    balance_loss = jnp.sum((utilization - 1.0 / E) ** 2)
    # dropout p=0.0 -> identity
    return (out.reshape(orig_shape), balance_loss)

if __name__ == "__main__":
    import jax
    _d = setup_inputs()
    print(jax.jit(kernel)(*tuple(_d.values())))

</pallas_src>

<mosaic_0001>
#map = affine_map<(d0, d1) -> (0, 0)>
#map1 = affine_map<(d0, d1) -> (0)>
module attributes {stable_mosaic.version = 14 : i64} {
  func.func @combine_k(%arg0: i32, %arg1: i32, %arg2: memref<6144x768xf32, #tpu.memory_space<hbm>>, %arg3: memref<2048xi32, #tpu.memory_space<hbm>>, %arg4: memref<2048xi32, #tpu.memory_space<hbm>>, %arg5: memref<2048x768xf32, #tpu.memory_space<hbm>>, %arg6: memref<64xi32, #tpu.memory_space<vmem>>, %arg7: memref<64xi32, #tpu.memory_space<vmem>>, %arg8: memref<64x768xf32, #tpu.memory_space<vmem>>, %arg9: memref<64x768xf32, #tpu.memory_space<vmem>>, %arg10: memref<!tpu.dma_semaphore, #tpu.memory_space<semaphore_mem>>, %arg11: memref<!tpu.dma_semaphore, #tpu.memory_space<semaphore_mem>>) attributes {dimension_semantics = [#tpu.dimension_semantics<core_parallel>, #tpu.dimension_semantics<subcore_parallel>], iteration_bounds = array<i64: 2, 16>, scalar_prefetch = 0 : i64, scratch_operands = 6 : i64, tpu.core_type = #tpu.core_type<sc_vector_subcore>, window_params = [{transform_indices = #map}, {transform_indices = #map1}, {transform_indices = #map1}, {transform_indices = #map}]} {
    %mul3A = arith.constant 2 : i32
    %mul3A_0 = arith.muli %arg1, %mul3A : i32
    %add3A = arith.addi %mul3A_0, %arg0 : i32
    %mul3A_1 = arith.constant 64 : i32
    %mul3A_2 = arith.muli %add3A, %mul3A_1 : i32
    "tpu.region"() ({
      %run_scoped3A = tpu.sem_alloc : memref<!tpu.dma_semaphore, #tpu.memory_space<semaphore_mem>>
      %dma_start3A_19 = tpu.memref_slice %arg3[%mul3A_2] : memref<2048xi32, #tpu.memory_space<hbm>> -> memref<64xi32, #tpu.memory_space<hbm>>
      %dma_start3A_20 = tpu.memref_slice %arg3[%mul3A_2] : memref<2048xi32, #tpu.memory_space<hbm>> -> memref<64xi32, #tpu.memory_space<hbm>>
      tpu.enqueue_dma source(%dma_start3A_20 : memref<64xi32, #tpu.memory_space<hbm>>) target(%arg6 : memref<64xi32, #tpu.memory_space<vmem>>) target_semaphore(%run_scoped3A : memref<!tpu.dma_semaphore, #tpu.memory_space<semaphore_mem>>)
      %dma_wait3A_21 = tpu.memref_slice %arg3[%mul3A_2] : memref<2048xi32, #tpu.memory_space<hbm>> -> memref<64xi32, #tpu.memory_space<hbm>>
      %dma_wait3A_22 = tpu.memref_slice %arg3[%mul3A_2] : memref<2048xi32, #tpu.memory_space<hbm>> -> memref<64xi32, #tpu.memory_space<hbm>>
      tpu.wait_dma2 semaphore(%run_scoped3A : memref<!tpu.dma_semaphore, #tpu.memory_space<semaphore_mem>>) src(%dma_wait3A_22 : memref<64xi32, #tpu.memory_space<hbm>>) dst(%arg6 : memref<64xi32, #tpu.memory_space<vmem>>)
      tpu.yield
    }) : () -> ()
    "tpu.region"() ({
      %run_scoped3A = tpu.sem_alloc : memref<!tpu.dma_semaphore, #tpu.memory_space<semaphore_mem>>
      %dma_start3A_19 = tpu.memref_slice %arg4[%mul3A_2] : memref<2048xi32, #tpu.memory_space<hbm>> -> memref<64xi32, #tpu.memory_space<hbm>>
      %dma_start3A_20 = tpu.memref_slice %arg4[%mul3A_2] : memref<2048xi32, #tpu.memory_space<hbm>> -> memref<64xi32, #tpu.memory_space<hbm>>
      tpu.enqueue_dma source(%dma_start3A_20 : memref<64xi32, #tpu.memory_space<hbm>>) target(%arg7 : memref<64xi32, #tpu.memory_space<vmem>>) target_semaphore(%run_scoped3A : memref<!tpu.dma_semaphore, #tpu.memory_space<semaphore_mem>>)
      %dma_wait3A_21 = tpu.memref_slice %arg4[%mul3A_2] : memref<2048xi32, #tpu.memory_space<hbm>> -> memref<64xi32, #tpu.memory_space<hbm>>
      %dma_wait3A_22 = tpu.memref_slice %arg4[%mul3A_2] : memref<2048xi32, #tpu.memory_space<hbm>> -> memref<64xi32, #tpu.memory_space<hbm>>
      tpu.wait_dma2 semaphore(%run_scoped3A : memref<!tpu.dma_semaphore, #tpu.memory_space<semaphore_mem>>) src(%dma_wait3A_22 : memref<64xi32, #tpu.memory_space<hbm>>) dst(%arg7 : memref<64xi32, #tpu.memory_space<vmem>>)
      tpu.yield
    }) : () -> ()
    %dma_start3A = arith.constant 0 : i32
    %dma_start3A_3 = arith.constant 0 : i32
    %dma_start3A_4 = tpu.memref_slice %arg2[%dma_start3A, %dma_start3A_3] : memref<6144x768xf32, #tpu.memory_space<hbm>> -> memref<6144x768xf32, #tpu.memory_space<hbm>>
    tpu.enqueue_indirect_dma source(%dma_start3A_4 : memref<6144x768xf32, #tpu.memory_space<hbm>>) target(%arg8 : memref<64x768xf32, #tpu.memory_space<vmem>>) offsets(%arg6 : memref<64xi32, #tpu.memory_space<vmem>>) semaphore(%arg10 : memref<!tpu.dma_semaphore, #tpu.memory_space<semaphore_mem>>)
    %dma_start3A_5 = arith.constant 0 : i32
    %dma_start3A_6 = arith.constant 0 : i32
    %dma_start3A_7 = tpu.memref_slice %arg2[%dma_start3A_5, %dma_start3A_6] : memref<6144x768xf32, #tpu.memory_space<hbm>> -> memref<6144x768xf32, #tpu.memory_space<hbm>>
    tpu.enqueue_indirect_dma source(%dma_start3A_7 : memref<6144x768xf32, #tpu.memory_space<hbm>>) target(%arg9 : memref<64x768xf32, #tpu.memory_space<vmem>>) offsets(%arg7 : memref<64xi32, #tpu.memory_space<vmem>>) semaphore(%arg11 : memref<!tpu.dma_semaphore, #tpu.memory_space<semaphore_mem>>)
    %dma_wait3A = arith.constant 0 : i32
    %dma_wait3A_8 = arith.constant 0 : i32
    %dma_wait3A_9 = tpu.memref_slice %arg2[%dma_wait3A, %dma_wait3A_8] : memref<6144x768xf32, #tpu.memory_space<hbm>> -> memref<6144x768xf32, #tpu.memory_space<hbm>>
    tpu.wait_indirect_dma semaphore(%arg10 : memref<!tpu.dma_semaphore, #tpu.memory_space<semaphore_mem>>) src(%dma_wait3A_9 : memref<6144x768xf32, #tpu.memory_space<hbm>>) dst(%arg8 : memref<64x768xf32, #tpu.memory_space<vmem>>)
    %dma_wait3A_10 = arith.constant 0 : i32
    %dma_wait3A_11 = arith.constant 0 : i32
    %dma_wait3A_12 = tpu.memref_slice %arg2[%dma_wait3A_10, %dma_wait3A_11] : memref<6144x768xf32, #tpu.memory_space<hbm>> -> memref<6144x768xf32, #tpu.memory_space<hbm>>
    tpu.wait_indirect_dma semaphore(%arg11 : memref<!tpu.dma_semaphore, #tpu.memory_space<semaphore_mem>>) src(%dma_wait3A_12 : memref<6144x768xf32, #tpu.memory_space<hbm>>) dst(%arg9 : memref<64x768xf32, #tpu.memory_space<vmem>>)
    %scan3A = arith.constant 0 : i32
    %scan3A_13 = arith.constant 0 : i32
    %scan3A_14 = arith.constant 64 : i32
    %scan3A_15 = arith.addi %scan3A_13, %scan3A_14 : i32
    %scan3A_16 = arith.constant 1 : i32
    %scan3A_17 = scf.for %scan3A_19 = %scan3A_13 to %scan3A_15 step %scan3A_16 iter_args(%scan3A_20 = %scan3A) -> (i32)  : i32 {
      %scan3A_21 = arith.constant 0 : i32
      %scan3A_22 = arith.constant 0 : i32
      %scan3A_23 = arith.constant 48 : i32
      %scan3A_24 = arith.addi %scan3A_22, %scan3A_23 : i32
      %scan3A_25 = arith.constant 1 : i32
      %scan3A_26 = scf.for %scan3A_28 = %scan3A_22 to %scan3A_24 step %scan3A_25 iter_args(%scan3A_29 = %scan3A_21) -> (i32)  : i32 {
        %mul3A_30 = arith.constant 16 : i32
        %mul3A_31 = arith.muli %scan3A_28, %mul3A_30 : i32
        %get3A = arith.index_cast %scan3A_19 : i32 to index
        %get3A_32 = arith.index_cast %mul3A_31 : i32 to index
        %get3A_33 = tpu.vector_load %arg8[%get3A, %get3A_32] {strides = array<i32>} : memref<64x768xf32, #tpu.memory_space<vmem>>, vector<1x16xf32>,
        %get3A_34 = vector.shape_cast %get3A_33 : vector<1x16xf32> to vector<16xf32>
        %get3A_35 = arith.index_cast %scan3A_19 : i32 to index
        %get3A_36 = arith.index_cast %mul3A_31 : i32 to index
        %get3A_37 = tpu.vector_load %arg9[%get3A_35, %get3A_36] {strides = array<i32>} : memref<64x768xf32, #tpu.memory_space<vmem>>, vector<1x16xf32>,
        %get3A_38 = vector.shape_cast %get3A_37 : vector<1x16xf32> to vector<16xf32>
        %add3A_39 = arith.addf %get3A_34, %get3A_38 : vector<16xf32>
        %swap3A = arith.index_cast %scan3A_19 : i32 to index
        %swap3A_40 = arith.index_cast %mul3A_31 : i32 to index
        %swap3A_41 = tpu.vector_load %arg8[%swap3A, %swap3A_40] {strides = array<i32>} : memref<64x768xf32, #tpu.memory_space<vmem>>, vector<1x16xf32>,
        %swap3A_42 = vector.shape_cast %swap3A_41 : vector<1x16xf32> to vector<16xf32>
        %swap3A_43 = vector.shape_cast %add3A_39 : vector<16xf32> to vector<1x16xf32>
        tpu.vector_store %arg8[%swap3A, %swap3A_40], %swap3A_43 {strides = array<i32>} : memref<64x768xf32, #tpu.memory_space<vmem>>, vector<1x16xf32>,
        %scan3A_44 = arith.constant 0 : i32
        scf.yield %scan3A_44 : i32
      }
      %scan3A_27 = arith.constant 48 : i32
      scf.yield %scan3A_26 : i32
    }
    %scan3A_18 = arith.constant 64 : i32
    "tpu.region"() ({
      %run_scoped3A = tpu.sem_alloc : memref<!tpu.dma_semaphore, #tpu.memory_space<semaphore_mem>>
      %dma_start3A_19 = arith.constant 0 : i32
      %dma_start3A_20 = tpu.memref_slice %arg5[%mul3A_2, %dma_start3A_19] : memref<2048x768xf32, #tpu.memory_space<hbm>> -> memref<64x768xf32, #tpu.memory_space<hbm>>
      %dma_start3A_21 = arith.constant 0 : i32
      %dma_start3A_22 = tpu.memref_slice %arg5[%mul3A_2, %dma_start3A_21] : memref<2048x768xf32, #tpu.memory_space<hbm>> -> memref<64x768xf32, #tpu.memory_space<hbm>>
      tpu.enqueue_dma source(%arg8 : memref<64x768xf32, #tpu.memory_space<vmem>>) target(%dma_start3A_22 : memref<64x768xf32, #tpu.memory_space<hbm>>) target_semaphore(%run_scoped3A : memref<!tpu.dma_semaphore, #tpu.memory_space<semaphore_mem>>)
      %dma_wait3A_23 = arith.constant 0 : i32
      %dma_wait3A_24 = tpu.memref_slice %arg5[%mul3A_2, %dma_wait3A_23] : memref<2048x768xf32, #tpu.memory_space<hbm>> -> memref<64x768xf32, #tpu.memory_space<hbm>>
      %dma_wait3A_25 = arith.constant 0 : i32
      %dma_wait3A_26 = tpu.memref_slice %arg5[%mul3A_2, %dma_wait3A_25] : memref<2048x768xf32, #tpu.memory_space<hbm>> -> memref<64x768xf32, #tpu.memory_space<hbm>>
      tpu.wait_dma2 semaphore(%run_scoped3A : memref<!tpu.dma_semaphore, #tpu.memory_space<semaphore_mem>>) src(%arg8 : memref<64x768xf32, #tpu.memory_space<vmem>>) dst(%dma_wait3A_26 : memref<64x768xf32, #tpu.memory_space<hbm>>)
      tpu.yield
    }) : () -> ()
    return
  }
}

#map = affine_map<(d0, d1) -> (0, 0)>
#map1 = affine_map<(d0, d1) -> (0)>
module attributes {stable_mosaic.version = 14 : i64} {
  func.func @dispatch_k(%arg0: i32, %arg1: i32, %arg2: memref<2048x768xf32, #tpu.memory_space<hbm>>, %arg3: memref<2048xi32, #tpu.memory_space<hbm>>, %arg4: memref<2048xi32, #tpu.memory_space<hbm>>, %arg5: memref<6144x768xf32, #tpu.memory_space<hbm>>, %arg6: memref<64xi32, #tpu.memory_space<vmem>>, %arg7: memref<64xi32, #tpu.memory_space<vmem>>, %arg8: memref<64x768xf32, #tpu.memory_space<vmem>>, %arg9: memref<!tpu.dma_semaphore, #tpu.memory_space<semaphore_mem>>) attributes {dimension_semantics = [#tpu.dimension_semantics<core_parallel>, #tpu.dimension_semantics<subcore_parallel>], iteration_bounds = array<i64: 2, 16>, scalar_prefetch = 0 : i64, scratch_operands = 4 : i64, tpu.core_type = #tpu.core_type<sc_vector_subcore>, window_params = [{transform_indices = #map}, {transform_indices = #map1}, {transform_indices = #map1}, {transform_indices = #map}]} {
    %mul3A = arith.constant 2 : i32
    %mul3A_0 = arith.muli %arg1, %mul3A : i32
    %add3A = arith.addi %mul3A_0, %arg0 : i32
    %mul3A_1 = arith.constant 64 : i32
    %mul3A_2 = arith.muli %add3A, %mul3A_1 : i32
    "tpu.region"() ({
      %run_scoped3A = tpu.sem_alloc : memref<!tpu.dma_semaphore, #tpu.memory_space<semaphore_mem>>
      %dma_start3A_13 = arith.constant 0 : i32
      %dma_start3A_14 = tpu.memref_slice %arg2[%mul3A_2, %dma_start3A_13] : memref<2048x768xf32, #tpu.memory_space<hbm>> -> memref<64x768xf32, #tpu.memory_space<hbm>>
      %dma_start3A_15 = arith.constant 0 : i32
      %dma_start3A_16 = tpu.memref_slice %arg2[%mul3A_2, %dma_start3A_15] : memref<2048x768xf32, #tpu.memory_space<hbm>> -> memref<64x768xf32, #tpu.memory_space<hbm>>
      tpu.enqueue_dma source(%dma_start3A_16 : memref<64x768xf32, #tpu.memory_space<hbm>>) target(%arg8 : memref<64x768xf32, #tpu.memory_space<vmem>>) target_semaphore(%run_scoped3A : memref<!tpu.dma_semaphore, #tpu.memory_space<semaphore_mem>>)
      %dma_wait3A_17 = arith.constant 0 : i32
      %dma_wait3A_18 = tpu.memref_slice %arg2[%mul3A_2, %dma_wait3A_17] : memref<2048x768xf32, #tpu.memory_space<hbm>> -> memref<64x768xf32, #tpu.memory_space<hbm>>
      %dma_wait3A_19 = arith.constant 0 : i32
      %dma_wait3A_20 = tpu.memref_slice %arg2[%mul3A_2, %dma_wait3A_19] : memref<2048x768xf32, #tpu.memory_space<hbm>> -> memref<64x768xf32, #tpu.memory_space<hbm>>
      tpu.wait_dma2 semaphore(%run_scoped3A : memref<!tpu.dma_semaphore, #tpu.memory_space<semaphore_mem>>) src(%dma_wait3A_20 : memref<64x768xf32, #tpu.memory_space<hbm>>) dst(%arg8 : memref<64x768xf32, #tpu.memory_space<vmem>>)
      tpu.yield
    }) : () -> ()
    "tpu.region"() ({
      %run_scoped3A = tpu.sem_alloc : memref<!tpu.dma_semaphore, #tpu.memory_space<semaphore_mem>>
      %dma_start3A_13 = tpu.memref_slice %arg3[%mul3A_2] : memref<2048xi32, #tpu.memory_space<hbm>> -> memref<64xi32, #tpu.memory_space<hbm>>
      %dma_start3A_14 = tpu.memref_slice %arg3[%mul3A_2] : memref<2048xi32, #tpu.memory_space<hbm>> -> memref<64xi32, #tpu.memory_space<hbm>>
      tpu.enqueue_dma source(%dma_start3A_14 : memref<64xi32, #tpu.memory_space<hbm>>) target(%arg6 : memref<64xi32, #tpu.memory_space<vmem>>) target_semaphore(%run_scoped3A : memref<!tpu.dma_semaphore, #tpu.memory_space<semaphore_mem>>)
      %dma_wait3A_15 = tpu.memref_slice %arg3[%mul3A_2] : memref<2048xi32, #tpu.memory_space<hbm>> -> memref<64xi32, #tpu.memory_space<hbm>>
      %dma_wait3A_16 = tpu.memref_slice %arg3[%mul3A_2] : memref<2048xi32, #tpu.memory_space<hbm>> -> memref<64xi32, #tpu.memory_space<hbm>>
      tpu.wait_dma2 semaphore(%run_scoped3A : memref<!tpu.dma_semaphore, #tpu.memory_space<semaphore_mem>>) src(%dma_wait3A_16 : memref<64xi32, #tpu.memory_space<hbm>>) dst(%arg6 : memref<64xi32, #tpu.memory_space<vmem>>)
      tpu.yield
    }) : () -> ()
    "tpu.region"() ({
      %run_scoped3A = tpu.sem_alloc : memref<!tpu.dma_semaphore, #tpu.memory_space<semaphore_mem>>
      %dma_start3A_13 = tpu.memref_slice %arg4[%mul3A_2] : memref<2048xi32, #tpu.memory_space<hbm>> -> memref<64xi32, #tpu.memory_space<hbm>>
      %dma_start3A_14 = tpu.memref_slice %arg4[%mul3A_2] : memref<2048xi32, #tpu.memory_space<hbm>> -> memref<64xi32, #tpu.memory_space<hbm>>
      tpu.enqueue_dma source(%dma_start3A_14 : memref<64xi32, #tpu.memory_space<hbm>>) target(%arg7 : memref<64xi32, #tpu.memory_space<vmem>>) target_semaphore(%run_scoped3A : memref<!tpu.dma_semaphore, #tpu.memory_space<semaphore_mem>>)
      %dma_wait3A_15 = tpu.memref_slice %arg4[%mul3A_2] : memref<2048xi32, #tpu.memory_space<hbm>> -> memref<64xi32, #tpu.memory_space<hbm>>
      %dma_wait3A_16 = tpu.memref_slice %arg4[%mul3A_2] : memref<2048xi32, #tpu.memory_space<hbm>> -> memref<64xi32, #tpu.memory_space<hbm>>
      tpu.wait_dma2 semaphore(%run_scoped3A : memref<!tpu.dma_semaphore, #tpu.memory_space<semaphore_mem>>) src(%dma_wait3A_16 : memref<64xi32, #tpu.memory_space<hbm>>) dst(%arg7 : memref<64xi32, #tpu.memory_space<vmem>>)
      tpu.yield
    }) : () -> ()
    %dma_start3A = arith.constant 0 : i32
    %dma_start3A_3 = arith.constant 0 : i32
    %dma_start3A_4 = tpu.memref_slice %arg5[%dma_start3A, %dma_start3A_3] : memref<6144x768xf32, #tpu.memory_space<hbm>> -> memref<6144x768xf32, #tpu.memory_space<hbm>>
    tpu.enqueue_indirect_dma source(%arg8 : memref<64x768xf32, #tpu.memory_space<vmem>>) target(%dma_start3A_4 : memref<6144x768xf32, #tpu.memory_space<hbm>>) offsets(%arg6 : memref<64xi32, #tpu.memory_space<vmem>>) semaphore(%arg9 : memref<!tpu.dma_semaphore, #tpu.memory_space<semaphore_mem>>)
    %dma_start3A_5 = arith.constant 0 : i32
    %dma_start3A_6 = arith.constant 0 : i32
    %dma_start3A_7 = tpu.memref_slice %arg5[%dma_start3A_5, %dma_start3A_6] : memref<6144x768xf32, #tpu.memory_space<hbm>> -> memref<6144x768xf32, #tpu.memory_space<hbm>>
    tpu.enqueue_indirect_dma source(%arg8 : memref<64x768xf32, #tpu.memory_space<vmem>>) target(%dma_start3A_7 : memref<6144x768xf32, #tpu.memory_space<hbm>>) offsets(%arg7 : memref<64xi32, #tpu.memory_space<vmem>>) semaphore(%arg9 : memref<!tpu.dma_semaphore, #tpu.memory_space<semaphore_mem>>)
    %dma_wait3A = arith.constant 0 : i32
    %dma_wait3A_8 = arith.constant 0 : i32
    %dma_wait3A_9 = tpu.memref_slice %arg5[%dma_wait3A, %dma_wait3A_8] : memref<6144x768xf32, #tpu.memory_space<hbm>> -> memref<6144x768xf32, #tpu.memory_space<hbm>>
    tpu.wait_indirect_dma semaphore(%arg9 : memref<!tpu.dma_semaphore, #tpu.memory_space<semaphore_mem>>) src(%arg8 : memref<64x768xf32, #tpu.memory_space<vmem>>) dst(%dma_wait3A_9 : memref<6144x768xf32, #tpu.memory_space<hbm>>)
    %dma_wait3A_10 = arith.constant 0 : i32
    %dma_wait3A_11 = arith.constant 0 : i32
    %dma_wait3A_12 = tpu.memref_slice %arg5[%dma_wait3A_10, %dma_wait3A_11] : memref<6144x768xf32, #tpu.memory_space<hbm>> -> memref<6144x768xf32, #tpu.memory_space<hbm>>
    tpu.wait_indirect_dma semaphore(%arg9 : memref<!tpu.dma_semaphore, #tpu.memory_space<semaphore_mem>>) src(%arg8 : memref<64x768xf32, #tpu.memory_space<vmem>>) dst(%dma_wait3A_12 : memref<6144x768xf32, #tpu.memory_space<hbm>>)
    return
  }
}

module attributes {stable_mosaic.version = 14 : i64} {
  func.func @_router_body(%arg0: memref<2048x768xf32, #tpu.memory_space<vmem>>, %arg1: memref<8x768xf32, #tpu.memory_space<vmem>>, %arg2: memref<1x8xf32, #tpu.memory_space<vmem>>, %arg3: memref<2048x1xi32, #tpu.memory_space<vmem>>, %arg4: memref<2048x1xi32, #tpu.memory_space<vmem>>, %arg5: memref<2048x1xf32, #tpu.memory_space<vmem>>, %arg6: memref<2048x1xf32, #tpu.memory_space<vmem>>, %arg7: memref<1x1xf32, #tpu.memory_space<vmem>>) attributes {dimension_semantics = [], scalar_prefetch = 0 : i64, scratch_operands = 0 : i64, tpu.core_type = #tpu.core_type<tc>} {
    %get3A = arith.constant 0 : index
    %get3A_0 = arith.constant 0 : index
    %get3A_1 = vector.load %arg0[%get3A, %get3A_0] : memref<2048x768xf32, #tpu.memory_space<vmem>>, vector<2048x768xf32>
    %get3A_2 = arith.constant 0 : index
    %get3A_3 = arith.constant 0 : index
    %get3A_4 = vector.load %arg1[%get3A_2, %get3A_3] : memref<8x768xf32, #tpu.memory_space<vmem>>, vector<8x768xf32>
    %dot_general3A = arith.constant dense<0.000000e+00> : vector<2048x8xf32>
    %dot_general3A_5 = tpu.matmul %get3A_1, %get3A_4, %dot_general3A {dimension_numbers = #tpu.dot_dimension_numbers<[1], [1], [0], [0], [0, 0, 1, 0], [], []>, transpose_lhs_hint = false} : vector<2048x768xf32>, vector<8x768xf32>, vector<2048x8xf32> -> vector<2048x8xf32>
    %get3A_6 = arith.constant 0 : index
    %get3A_7 = arith.constant 0 : index
    %get3A_8 = vector.load %arg2[%get3A_6, %get3A_7] : memref<1x8xf32, #tpu.memory_space<vmem>>, vector<1x8xf32>
    %add3A = vector.broadcast %get3A_8 : vector<1x8xf32> to vector<2048x8xf32>
    %add3A_9 = arith.addf %dot_general3A_5, %add3A : vector<2048x8xf32>
    %reduce_max3A = arith.constant dense<0xFF800000> : vector<2048xf32>
    %reduce_max3A_10 = vector.multi_reduction <maximumf>, %add3A_9, %reduce_max3A [1] : vector<2048x8xf32> to vector<2048xf32>
    %broadcast_in_dim3A = vector.shape_cast %reduce_max3A_10 : vector<2048xf32> to vector<2048x1xf32>
    %sub3A = vector.broadcast %broadcast_in_dim3A : vector<2048x1xf32> to vector<2048x8xf32>
    %sub3A_11 = arith.subf %add3A_9, %sub3A : vector<2048x8xf32>
    %exp3A = math.exp %sub3A_11 : vector<2048x8xf32>
    %reduce_sum3A = arith.constant dense<0.000000e+00> : vector<2048xf32>
    %reduce_sum3A_12 = vector.multi_reduction <add>, %exp3A, %reduce_sum3A [1] : vector<2048x8xf32> to vector<2048xf32>
    %broadcast_in_dim3A_13 = vector.shape_cast %reduce_sum3A_12 : vector<2048xf32> to vector<2048x1xf32>
    %div3A = vector.broadcast %broadcast_in_dim3A_13 : vector<2048x1xf32> to vector<2048x8xf32>
    %div3A_14 = arith.divf %exp3A, %div3A : vector<2048x8xf32>
    %iota3A = tpu.iota {dimensions = array<i32: 1>} : vector<2048x8xi32>
    %reduce_max3A_15 = arith.constant dense<0xFF800000> : vector<2048xf32>
    %reduce_max3A_16 = vector.multi_reduction <maximumf>, %div3A_14, %reduce_max3A_15 [1] : vector<2048x8xf32> to vector<2048xf32>
    %broadcast_in_dim3A_17 = vector.shape_cast %reduce_max3A_16 : vector<2048xf32> to vector<2048x1xf32>
    %eq3A = vector.broadcast %broadcast_in_dim3A_17 : vector<2048x1xf32> to vector<2048x8xf32>
    %eq3A_18 = arith.cmpf oeq, %div3A_14, %eq3A : vector<2048x8xf32>
    %jit3A = arith.constant 8 : i32
    %broadcast_in_dim3A_19 = vector.broadcast %jit3A : i32 to vector<2048x8xi32>
    %select_n3A = arith.select %eq3A_18, %iota3A, %broadcast_in_dim3A_19 : vector<2048x8xi1>, vector<2048x8xi32>
    %reduce_min3A = arith.constant dense<2147483647> : vector<2048xi32>
    %reduce_min3A_20 = vector.multi_reduction <minsi>, %select_n3A, %reduce_min3A [1] : vector<2048x8xi32> to vector<2048xi32>
    %broadcast_in_dim3A_21 = vector.shape_cast %reduce_min3A_20 : vector<2048xi32> to vector<2048x1xi32>
    %eq3A_22 = vector.broadcast %broadcast_in_dim3A_21 : vector<2048x1xi32> to vector<2048x8xi32>
    %eq3A_23 = arith.cmpi eq, %iota3A, %eq3A_22 : vector<2048x8xi32>
    %jit3A_24 = arith.constant -1.000000e+00 : f32
    %broadcast_in_dim3A_25 = vector.broadcast %jit3A_24 : f32 to vector<2048x8xf32>
    %select_n3A_26 = arith.select %eq3A_23, %broadcast_in_dim3A_25, %div3A_14 : vector<2048x8xi1>, vector<2048x8xf32>
    %reduce_max3A_27 = arith.constant dense<0xFF800000> : vector<2048xf32>
    %reduce_max3A_28 = vector.multi_reduction <maximumf>, %select_n3A_26, %reduce_max3A_27 [1] : vector<2048x8xf32> to vector<2048xf32>
    %broadcast_in_dim3A_29 = vector.shape_cast %reduce_max3A_28 : vector<2048xf32> to vector<2048x1xf32>
    %eq3A_30 = vector.broadcast %broadcast_in_dim3A_29 : vector<2048x1xf32> to vector<2048x8xf32>
    %eq3A_31 = arith.cmpf oeq, %select_n3A_26, %eq3A_30 : vector<2048x8xf32>
    %jit3A_32 = arith.constant 8 : i32
    %broadcast_in_dim3A_33 = vector.broadcast %jit3A_32 : i32 to vector<2048x8xi32>
    %select_n3A_34 = arith.select %eq3A_31, %iota3A, %broadcast_in_dim3A_33 : vector<2048x8xi1>, vector<2048x8xi32>
    %reduce_min3A_35 = arith.constant dense<2147483647> : vector<2048xi32>
    %reduce_min3A_36 = vector.multi_reduction <minsi>, %select_n3A_34, %reduce_min3A_35 [1] : vector<2048x8xi32> to vector<2048xi32>
    %broadcast_in_dim3A_37 = vector.shape_cast %reduce_min3A_36 : vector<2048xi32> to vector<2048x1xi32>
    %add3A_38 = arith.addf %broadcast_in_dim3A_17, %broadcast_in_dim3A_29 : vector<2048x1xf32>
    %swap3A = arith.constant 0 : index
    %swap3A_39 = arith.constant 0 : index
    %swap3A_40 = vector.load %arg3[%swap3A, %swap3A_39] : memref<2048x1xi32, #tpu.memory_space<vmem>>, vector<2048x1xi32>
    tpu.vector_store %arg3[%swap3A, %swap3A_39], %broadcast_in_dim3A_21 {strides = array<i32>} : memref<2048x1xi32, #tpu.memory_space<vmem>>, vector<2048x1xi32>,
    %swap3A_41 = arith.constant 0 : index
    %swap3A_42 = arith.constant 0 : index
    %swap3A_43 = vector.load %arg4[%swap3A_41, %swap3A_42] : memref<2048x1xi32, #tpu.memory_space<vmem>>, vector<2048x1xi32>
    tpu.vector_store %arg4[%swap3A_41, %swap3A_42], %broadcast_in_dim3A_37 {strides = array<i32>} : memref<2048x1xi32, #tpu.memory_space<vmem>>, vector<2048x1xi32>,
    %div3A_44 = arith.divf %broadcast_in_dim3A_17, %add3A_38 : vector<2048x1xf32>
    %swap3A_45 = arith.constant 0 : index
    %swap3A_46 = arith.constant 0 : index
    %swap3A_47 = vector.load %arg5[%swap3A_45, %swap3A_46] : memref<2048x1xf32, #tpu.memory_space<vmem>>, vector<2048x1xf32>
    tpu.vector_store %arg5[%swap3A_45, %swap3A_46], %div3A_44 {strides = array<i32>} : memref<2048x1xf32, #tpu.memory_space<vmem>>, vector<2048x1xf32>,
    %div3A_48 = arith.divf %broadcast_in_dim3A_29, %add3A_38 : vector<2048x1xf32>
    %swap3A_49 = arith.constant 0 : index
    %swap3A_50 = arith.constant 0 : index
    %swap3A_51 = vector.load %arg6[%swap3A_49, %swap3A_50] : memref<2048x1xf32, #tpu.memory_space<vmem>>, vector<2048x1xf32>
    tpu.vector_store %arg6[%swap3A_49, %swap3A_50], %div3A_48 {strides = array<i32>} : memref<2048x1xf32, #tpu.memory_space<vmem>>, vector<2048x1xf32>,
    %eq3A_52 = vector.broadcast %broadcast_in_dim3A_21 : vector<2048x1xi32> to vector<2048x8xi32>
    %eq3A_53 = arith.cmpi eq, %iota3A, %eq3A_52 : vector<2048x8xi32>
    %eq3A_54 = vector.broadcast %broadcast_in_dim3A_37 : vector<2048x1xi32> to vector<2048x8xi32>
    %eq3A_55 = arith.cmpi eq, %iota3A, %eq3A_54 : vector<2048x8xi32>
    %or3A = arith.ori %eq3A_53, %eq3A_55 : vector<2048x8xi1>
    %convert_element_type3A = arith.extui %or3A : vector<2048x8xi1> to vector<2048x8xi32>
    %convert_element_type3A_56 = arith.sitofp %convert_element_type3A : vector<2048x8xi32> to vector<2048x8xf32>
    %reduce_sum3A_57 = arith.constant dense<0.000000e+00> : vector<8xf32>
    %reduce_sum3A_58 = vector.multi_reduction <add>, %convert_element_type3A_56, %reduce_sum3A_57 [0] : vector<2048x8xf32> to vector<8xf32>
    %broadcast_in_dim3A_59 = vector.shape_cast %reduce_sum3A_58 : vector<8xf32> to vector<1x8xf32>
    %div3A_60 = arith.constant 2.048000e+03 : f32
    %div3A_61 = vector.broadcast %div3A_60 : f32 to vector<1x8xf32>
    %div3A_62 = arith.divf %broadcast_in_dim3A_59, %div3A_61 : vector<1x8xf32>
    %sub3A_63 = arith.constant 1.250000e-01 : f32
    %sub3A_64 = vector.broadcast %sub3A_63 : f32 to vector<1x8xf32>
    %sub3A_65 = arith.subf %div3A_62, %sub3A_64 : vector<1x8xf32>
    %integer_pow3A = arith.mulf %sub3A_65, %sub3A_65 : vector<1x8xf32>
    %reduce_sum3A_66 = arith.constant dense<0.000000e+00> : vector<1xf32>
    %reduce_sum3A_67 = vector.multi_reduction <add>, %integer_pow3A, %reduce_sum3A_66 [1] : vector<1x8xf32> to vector<1xf32>
    %broadcast_in_dim3A_68 = vector.shape_cast %reduce_sum3A_67 : vector<1xf32> to vector<1x1xf32>
    %swap3A_69 = arith.constant 0 : index
    %swap3A_70 = arith.constant 0 : index
    %swap3A_71 = vector.load %arg7[%swap3A_69, %swap3A_70] : memref<1x1xf32, #tpu.memory_space<vmem>>, vector<1x1xf32>
    tpu.vector_store %arg7[%swap3A_69, %swap3A_70], %broadcast_in_dim3A_68 {strides = array<i32>} : memref<1x1xf32, #tpu.memory_space<vmem>>, vector<1x1xf32>,
    return
  }
}

module attributes {stable_mosaic.version = 14 : i64} {
  func.func @_geglu_body(%arg0: i32, %arg1: memref<24xi32, #tpu.memory_space<smem>>, %arg2: memref<24xi32, #tpu.memory_space<smem>>, %arg3: memref<24xi32, #tpu.memory_space<smem>>, %arg4: memref<24xi32, #tpu.memory_space<smem>>, %arg5: memref<24xi32, #tpu.memory_space<smem>>, %arg6: memref<256x768xf32, #tpu.memory_space<vmem>>, %arg7: memref<8x3072x768xbf16, #tpu.memory_space<hbm>>, %arg8: memref<1x1x3072xf32, #tpu.memory_space<vmem>>, %arg9: memref<8x3072x768xbf16, #tpu.memory_space<hbm>>, %arg10: memref<1x1x3072xf32, #tpu.memory_space<vmem>>, %arg11: memref<8x768x3072xbf16, #tpu.memory_space<hbm>>, %arg12: memref<1x1x768xf32, #tpu.memory_space<vmem>>, %arg13: memref<256x1xf32, #tpu.memory_space<vmem>>, %arg14: memref<256x768xf32, #tpu.memory_space<vmem>>, %arg15: memref<2x3072x768xbf16, #tpu.memory_space<vmem>>, %arg16: memref<2x3072x768xbf16, #tpu.memory_space<vmem>>, %arg17: memref<2x768x3072xbf16, #tpu.memory_space<vmem>>, %arg18: memref<!tpu.dma_semaphore, #tpu.memory_space<semaphore_mem>>, %arg19: memref<!tpu.dma_semaphore, #tpu.memory_space<semaphore_mem>>, %arg20: memref<!tpu.dma_semaphore, #tpu.memory_space<semaphore_mem>>) attributes {dimension_semantics = [#tpu.dimension_semantics<arbitrary>], iteration_bounds = array<i64: 24>, scalar_prefetch = 5 : i64, scratch_operands = 6 : i64, tpu.core_type = #tpu.core_type<tc>, window_params = [{transform_indices = @transform_0, window_bounds = array<i64: 256, 768>}, {}, {transform_indices = @transform_2, window_bounds = array<i64: 1, 1, 3072>}, {}, {transform_indices = @transform_4, window_bounds = array<i64: 1, 1, 3072>}, {}, {transform_indices = @transform_6, window_bounds = array<i64: 1, 1, 768>}, {transform_indices = @transform_7, window_bounds = array<i64: 256, 1>}, {transform_indices = @transform_8, window_bounds = array<i64: 256, 768>}]} {
    %get3A = arith.index_cast %arg0 : i32 to index
    %get3A_0 = memref.load %arg4[%get3A] : memref<24xi32, #tpu.memory_space<smem>>
    %eq3A = arith.constant 0 : i32
    %eq3A_1 = arith.cmpi eq, %arg0, %eq3A : i32
    %convert_element_type3A = arith.extui %eq3A_1 : i1 to i32
    %cond3A = arith.constant 0 : i32
    %cond3A_2 = arith.cmpi ne, %convert_element_type3A, %cond3A : i32
    scf.if %cond3A_2 {
      %get3A_83 = arith.constant 0 : index
      %get3A_84 = memref.load %arg1[%get3A_83] : memref<24xi32, #tpu.memory_space<smem>>
      %dma_start3A = arith.constant 0 : i32
      %dma_start3A_85 = arith.constant 0 : i32
      %dma_start3A_86 = arith.constant 0 : i32
      %dma_start3A_87 = tpu.memref_slice %arg15[%dma_start3A, %dma_start3A_85, %dma_start3A_86] : memref<2x3072x768xbf16, #tpu.memory_space<vmem>> -> memref<1x3072x768xbf16, #tpu.memory_space<vmem>>
      %dma_start3A_88 = tpu.memref_squeeze %dma_start3A_87 : memref<1x3072x768xbf16, #tpu.memory_space<vmem>> -> memref<3072x768xbf16, #tpu.memory_space<vmem>>
      %dma_start3A_89 = arith.constant 0 : i32
      %dma_start3A_90 = arith.constant 0 : i32
      %dma_start3A_91 = tpu.memref_slice %arg7[%get3A_84, %dma_start3A_89, %dma_start3A_90] : memref<8x3072x768xbf16, #tpu.memory_space<hbm>> -> memref<1x3072x768xbf16, #tpu.memory_space<hbm>>
      %dma_start3A_92 = tpu.memref_squeeze %dma_start3A_91 : memref<1x3072x768xbf16, #tpu.memory_space<hbm>> -> memref<3072x768xbf16, #tpu.memory_space<hbm>>
      tpu.enqueue_dma source(%dma_start3A_92 : memref<3072x768xbf16, #tpu.memory_space<hbm>>) target(%dma_start3A_88 : memref<3072x768xbf16, #tpu.memory_space<vmem>>) target_semaphore(%arg18 : memref<!tpu.dma_semaphore, #tpu.memory_space<semaphore_mem>>)
      %dma_start3A_93 = arith.constant 0 : i32
      %dma_start3A_94 = arith.constant 0 : i32
      %dma_start3A_95 = arith.constant 0 : i32
      %dma_start3A_96 = tpu.memref_slice %arg16[%dma_start3A_93, %dma_start3A_94, %dma_start3A_95] : memref<2x3072x768xbf16, #tpu.memory_space<vmem>> -> memref<1x3072x768xbf16, #tpu.memory_space<vmem>>
      %dma_start3A_97 = tpu.memref_squeeze %dma_start3A_96 : memref<1x3072x768xbf16, #tpu.memory_space<vmem>> -> memref<3072x768xbf16, #tpu.memory_space<vmem>>
      %dma_start3A_98 = arith.constant 0 : i32
      %dma_start3A_99 = arith.constant 0 : i32
      %dma_start3A_100 = tpu.memref_slice %arg9[%get3A_84, %dma_start3A_98, %dma_start3A_99] : memref<8x3072x768xbf16, #tpu.memory_space<hbm>> -> memref<1x3072x768xbf16, #tpu.memory_space<hbm>>
      %dma_start3A_101 = tpu.memref_squeeze %dma_start3A_100 : memref<1x3072x768xbf16, #tpu.memory_space<hbm>> -> memref<3072x768xbf16, #tpu.memory_space<hbm>>
      tpu.enqueue_dma source(%dma_start3A_101 : memref<3072x768xbf16, #tpu.memory_space<hbm>>) target(%dma_start3A_97 : memref<3072x768xbf16, #tpu.memory_space<vmem>>) target_semaphore(%arg19 : memref<!tpu.dma_semaphore, #tpu.memory_space<semaphore_mem>>)
      %dma_start3A_102 = arith.constant 0 : i32
      %dma_start3A_103 = arith.constant 0 : i32
      %dma_start3A_104 = arith.constant 0 : i32
      %dma_start3A_105 = tpu.memref_slice %arg17[%dma_start3A_102, %dma_start3A_103, %dma_start3A_104] : memref<2x768x3072xbf16, #tpu.memory_space<vmem>> -> memref<1x768x3072xbf16, #tpu.memory_space<vmem>>
      %dma_start3A_106 = tpu.memref_squeeze %dma_start3A_105 : memref<1x768x3072xbf16, #tpu.memory_space<vmem>> -> memref<768x3072xbf16, #tpu.memory_space<vmem>>
      %dma_start3A_107 = arith.constant 0 : i32
      %dma_start3A_108 = arith.constant 0 : i32
      %dma_start3A_109 = tpu.memref_slice %arg11[%get3A_84, %dma_start3A_107, %dma_start3A_108] : memref<8x768x3072xbf16, #tpu.memory_space<hbm>> -> memref<1x768x3072xbf16, #tpu.memory_space<hbm>>
      %dma_start3A_110 = tpu.memref_squeeze %dma_start3A_109 : memref<1x768x3072xbf16, #tpu.memory_space<hbm>> -> memref<768x3072xbf16, #tpu.memory_space<hbm>>
      tpu.enqueue_dma source(%dma_start3A_110 : memref<768x3072xbf16, #tpu.memory_space<hbm>>) target(%dma_start3A_106 : memref<768x3072xbf16, #tpu.memory_space<vmem>>) target_semaphore(%arg20 : memref<!tpu.dma_semaphore, #tpu.memory_space<semaphore_mem>>)
    } else {
    }
    %get3A_3 = arith.index_cast %arg0 : i32 to index
    %get3A_4 = memref.load %arg2[%get3A_3] : memref<24xi32, #tpu.memory_space<smem>>
    %eq3A_5 = arith.constant 1 : i32
    %eq3A_6 = arith.cmpi eq, %get3A_4, %eq3A_5 : i32
    %convert_element_type3A_7 = arith.extui %eq3A_6 : i1 to i32
    %cond3A_8 = arith.constant 0 : i32
    %cond3A_9 = arith.cmpi ne, %convert_element_type3A_7, %cond3A_8 : i32
    scf.if %cond3A_9 {
      %dma_wait3A = arith.constant 0 : i32
      %dma_wait3A_83 = arith.constant 0 : i32
      %dma_wait3A_84 = arith.constant 0 : i32
      %dma_wait3A_85 = tpu.memref_slice %arg15[%get3A_0, %dma_wait3A_83, %dma_wait3A_84] : memref<2x3072x768xbf16, #tpu.memory_space<vmem>> -> memref<1x3072x768xbf16, #tpu.memory_space<vmem>>
      %dma_wait3A_86 = tpu.memref_squeeze %dma_wait3A_85 : memref<1x3072x768xbf16, #tpu.memory_space<vmem>> -> memref<3072x768xbf16, #tpu.memory_space<vmem>>
      %dma_wait3A_87 = arith.constant 0 : i32
      %dma_wait3A_88 = arith.constant 0 : i32
      %dma_wait3A_89 = tpu.memref_slice %arg7[%dma_wait3A, %dma_wait3A_87, %dma_wait3A_88] : memref<8x3072x768xbf16, #tpu.memory_space<hbm>> -> memref<1x3072x768xbf16, #tpu.memory_space<hbm>>
      %dma_wait3A_90 = tpu.memref_squeeze %dma_wait3A_89 : memref<1x3072x768xbf16, #tpu.memory_space<hbm>> -> memref<3072x768xbf16, #tpu.memory_space<hbm>>
      tpu.wait_dma2 semaphore(%arg18 : memref<!tpu.dma_semaphore, #tpu.memory_space<semaphore_mem>>) src(%dma_wait3A_90 : memref<3072x768xbf16, #tpu.memory_space<hbm>>) dst(%dma_wait3A_86 : memref<3072x768xbf16, #tpu.memory_space<vmem>>)
      %dma_wait3A_91 = arith.constant 0 : i32
      %dma_wait3A_92 = arith.constant 0 : i32
      %dma_wait3A_93 = arith.constant 0 : i32
      %dma_wait3A_94 = tpu.memref_slice %arg16[%get3A_0, %dma_wait3A_92, %dma_wait3A_93] : memref<2x3072x768xbf16, #tpu.memory_space<vmem>> -> memref<1x3072x768xbf16, #tpu.memory_space<vmem>>
      %dma_wait3A_95 = tpu.memref_squeeze %dma_wait3A_94 : memref<1x3072x768xbf16, #tpu.memory_space<vmem>> -> memref<3072x768xbf16, #tpu.memory_space<vmem>>
      %dma_wait3A_96 = arith.constant 0 : i32
      %dma_wait3A_97 = arith.constant 0 : i32
      %dma_wait3A_98 = tpu.memref_slice %arg9[%dma_wait3A_91, %dma_wait3A_96, %dma_wait3A_97] : memref<8x3072x768xbf16, #tpu.memory_space<hbm>> -> memref<1x3072x768xbf16, #tpu.memory_space<hbm>>
      %dma_wait3A_99 = tpu.memref_squeeze %dma_wait3A_98 : memref<1x3072x768xbf16, #tpu.memory_space<hbm>> -> memref<3072x768xbf16, #tpu.memory_space<hbm>>
      tpu.wait_dma2 semaphore(%arg19 : memref<!tpu.dma_semaphore, #tpu.memory_space<semaphore_mem>>) src(%dma_wait3A_99 : memref<3072x768xbf16, #tpu.memory_space<hbm>>) dst(%dma_wait3A_95 : memref<3072x768xbf16, #tpu.memory_space<vmem>>)
      %dma_wait3A_100 = arith.constant 0 : i32
      %dma_wait3A_101 = arith.constant 0 : i32
      %dma_wait3A_102 = arith.constant 0 : i32
      %dma_wait3A_103 = tpu.memref_slice %arg17[%get3A_0, %dma_wait3A_101, %dma_wait3A_102] : memref<2x768x3072xbf16, #tpu.memory_space<vmem>> -> memref<1x768x3072xbf16, #tpu.memory_space<vmem>>
      %dma_wait3A_104 = tpu.memref_squeeze %dma_wait3A_103 : memref<1x768x3072xbf16, #tpu.memory_space<vmem>> -> memref<768x3072xbf16, #tpu.memory_space<vmem>>
      %dma_wait3A_105 = arith.constant 0 : i32
      %dma_wait3A_106 = arith.constant 0 : i32
      %dma_wait3A_107 = tpu.memref_slice %arg11[%dma_wait3A_100, %dma_wait3A_105, %dma_wait3A_106] : memref<8x768x3072xbf16, #tpu.memory_space<hbm>> -> memref<1x768x3072xbf16, #tpu.memory_space<hbm>>
      %dma_wait3A_108 = tpu.memref_squeeze %dma_wait3A_107 : memref<1x768x3072xbf16, #tpu.memory_space<hbm>> -> memref<768x3072xbf16, #tpu.memory_space<hbm>>
      tpu.wait_dma2 semaphore(%arg20 : memref<!tpu.dma_semaphore, #tpu.memory_space<semaphore_mem>>) src(%dma_wait3A_108 : memref<768x3072xbf16, #tpu.memory_space<hbm>>) dst(%dma_wait3A_104 : memref<768x3072xbf16, #tpu.memory_space<vmem>>)
    } else {
    }
    %get3A_10 = arith.index_cast %arg0 : i32 to index
    %get3A_11 = memref.load %arg2[%get3A_10] : memref<24xi32, #tpu.memory_space<smem>>
    %eq3A_12 = arith.constant 1 : i32
    %eq3A_13 = arith.cmpi eq, %get3A_11, %eq3A_12 : i32
    %get3A_14 = arith.index_cast %arg0 : i32 to index
    %get3A_15 = memref.load %arg3[%get3A_14] : memref<24xi32, #tpu.memory_space<smem>>
    %eq3A_16 = arith.constant 1 : i32
    %eq3A_17 = arith.cmpi eq, %get3A_15, %eq3A_16 : i32
    %and3A = arith.andi %eq3A_13, %eq3A_17 : i1
    %convert_element_type3A_18 = arith.extui %and3A : i1 to i32
    %cond3A_19 = arith.constant 0 : i32
    %cond3A_20 = arith.cmpi ne, %convert_element_type3A_18, %cond3A_19 : i32
    scf.if %cond3A_20 {
      %get3A_83 = arith.index_cast %arg0 : i32 to index
      %get3A_84 = memref.load %arg5[%get3A_83] : memref<24xi32, #tpu.memory_space<smem>>
      %sub3A = arith.constant 1 : i32
      %sub3A_85 = arith.subi %sub3A, %get3A_0 : i32
      %dma_start3A = arith.constant 0 : i32
      %dma_start3A_86 = arith.constant 0 : i32
      %dma_start3A_87 = tpu.memref_slice %arg15[%sub3A_85, %dma_start3A, %dma_start3A_86] : memref<2x3072x768xbf16, #tpu.memory_space<vmem>> -> memref<1x3072x768xbf16, #tpu.memory_space<vmem>>
      %dma_start3A_88 = tpu.memref_squeeze %dma_start3A_87 : memref<1x3072x768xbf16, #tpu.memory_space<vmem>> -> memref<3072x768xbf16, #tpu.memory_space<vmem>>
      %dma_start3A_89 = arith.constant 0 : i32
      %dma_start3A_90 = arith.constant 0 : i32
      %dma_start3A_91 = tpu.memref_slice %arg7[%get3A_84, %dma_start3A_89, %dma_start3A_90] : memref<8x3072x768xbf16, #tpu.memory_space<hbm>> -> memref<1x3072x768xbf16, #tpu.memory_space<hbm>>
      %dma_start3A_92 = tpu.memref_squeeze %dma_start3A_91 : memref<1x3072x768xbf16, #tpu.memory_space<hbm>> -> memref<3072x768xbf16, #tpu.memory_space<hbm>>
      tpu.enqueue_dma source(%dma_start3A_92 : memref<3072x768xbf16, #tpu.memory_space<hbm>>) target(%dma_start3A_88 : memref<3072x768xbf16, #tpu.memory_space<vmem>>) target_semaphore(%arg18 : memref<!tpu.dma_semaphore, #tpu.memory_space<semaphore_mem>>)
      %sub3A_93 = arith.constant 1 : i32
      %sub3A_94 = arith.subi %sub3A_93, %get3A_0 : i32
      %dma_start3A_95 = arith.constant 0 : i32
      %dma_start3A_96 = arith.constant 0 : i32
      %dma_start3A_97 = tpu.memref_slice %arg16[%sub3A_94, %dma_start3A_95, %dma_start3A_96] : memref<2x3072x768xbf16, #tpu.memory_space<vmem>> -> memref<1x3072x768xbf16, #tpu.memory_space<vmem>>
      %dma_start3A_98 = tpu.memref_squeeze %dma_start3A_97 : memref<1x3072x768xbf16, #tpu.memory_space<vmem>> -> memref<3072x768xbf16, #tpu.memory_space<vmem>>
      %dma_start3A_99 = arith.constant 0 : i32
      %dma_start3A_100 = arith.constant 0 : i32
      %dma_start3A_101 = tpu.memref_slice %arg9[%get3A_84, %dma_start3A_99, %dma_start3A_100] : memref<8x3072x768xbf16, #tpu.memory_space<hbm>> -> memref<1x3072x768xbf16, #tpu.memory_space<hbm>>
      %dma_start3A_102 = tpu.memref_squeeze %dma_start3A_101 : memref<1x3072x768xbf16, #tpu.memory_space<hbm>> -> memref<3072x768xbf16, #tpu.memory_space<hbm>>
      tpu.enqueue_dma source(%dma_start3A_102 : memref<3072x768xbf16, #tpu.memory_space<hbm>>) target(%dma_start3A_98 : memref<3072x768xbf16, #tpu.memory_space<vmem>>) target_semaphore(%arg19 : memref<!tpu.dma_semaphore, #tpu.memory_space<semaphore_mem>>)
      %sub3A_103 = arith.constant 1 : i32
      %sub3A_104 = arith.subi %sub3A_103, %get3A_0 : i32
      %dma_start3A_105 = arith.constant 0 : i32
      %dma_start3A_106 = arith.constant 0 : i32
      %dma_start3A_107 = tpu.memref_slice %arg17[%sub3A_104, %dma_start3A_105, %dma_start3A_106] : memref<2x768x3072xbf16, #tpu.memory_space<vmem>> -> memref<1x768x3072xbf16, #tpu.memory_space<vmem>>
      %dma_start3A_108 = tpu.memref_squeeze %dma_start3A_107 : memref<1x768x3072xbf16, #tpu.memory_space<vmem>> -> memref<768x3072xbf16, #tpu.memory_space<vmem>>
      %dma_start3A_109 = arith.constant 0 : i32
      %dma_start3A_110 = arith.constant 0 : i32
      %dma_start3A_111 = tpu.memref_slice %arg11[%get3A_84, %dma_start3A_109, %dma_start3A_110] : memref<8x768x3072xbf16, #tpu.memory_space<hbm>> -> memref<1x768x3072xbf16, #tpu.memory_space<hbm>>
      %dma_start3A_112 = tpu.memref_squeeze %dma_start3A_111 : memref<1x768x3072xbf16, #tpu.memory_space<hbm>> -> memref<768x3072xbf16, #tpu.memory_space<hbm>>
      tpu.enqueue_dma source(%dma_start3A_112 : memref<768x3072xbf16, #tpu.memory_space<hbm>>) target(%dma_start3A_108 : memref<768x3072xbf16, #tpu.memory_space<vmem>>) target_semaphore(%arg20 : memref<!tpu.dma_semaphore, #tpu.memory_space<semaphore_mem>>)
    } else {
    }
    %get3A_21 = arith.constant 0 : index
    %get3A_22 = arith.constant 0 : index
    %get3A_23 = vector.load %arg6[%get3A_21, %get3A_22] : memref<256x768xf32, #tpu.memory_space<vmem>>, vector<256x768xf32>
    %convert_element_type3A_24 = arith.truncf %get3A_23 : vector<256x768xf32> to vector<256x768xbf16>
    %get3A_25 = arith.index_cast %get3A_0 : i32 to index
    %get3A_26 = arith.constant 0 : index
    %get3A_27 = arith.constant 0 : index
    %get3A_28 = vector.load %arg15[%get3A_25, %get3A_26, %get3A_27] : memref<2x3072x768xbf16, #tpu.memory_space<vmem>>, vector<1x3072x768xbf16>
    %get3A_29 = vector.shape_cast %get3A_28 : vector<1x3072x768xbf16> to vector<3072x768xbf16>
    %dot_general3A = arith.constant dense<0.000000e+00> : vector<256x3072xf32>
    %dot_general3A_30 = tpu.matmul %convert_element_type3A_24, %get3A_29, %dot_general3A {dimension_numbers = #tpu.dot_dimension_numbers<[1], [1], [0], [0], [0, 0, 1, 0], [], []>, transpose_lhs_hint = false} : vector<256x768xbf16>, vector<3072x768xbf16>, vector<256x3072xf32> -> vector<256x3072xf32>
    %get3A_31 = arith.constant 0 : index
    %get3A_32 = arith.constant 0 : index
    %get3A_33 = arith.constant 0 : index
    %get3A_34 = vector.load %arg8[%get3A_31, %get3A_32, %get3A_33] : memref<1x1x3072xf32, #tpu.memory_space<vmem>>, vector<1x1x3072xf32>
    %get3A_35 = vector.shape_cast %get3A_34 : vector<1x1x3072xf32> to vector<1x3072xf32>
    %add3A = vector.broadcast %get3A_35 : vector<1x3072xf32> to vector<256x3072xf32>
    %add3A_36 = arith.addf %dot_general3A_30, %add3A : vector<256x3072xf32>
    %get3A_37 = arith.index_cast %get3A_0 : i32 to index
    %get3A_38 = arith.constant 0 : index
    %get3A_39 = arith.constant 0 : index
    %get3A_40 = vector.load %arg16[%get3A_37, %get3A_38, %get3A_39] : memref<2x3072x768xbf16, #tpu.memory_space<vmem>>, vector<1x3072x768xbf16>
    %get3A_41 = vector.shape_cast %get3A_40 : vector<1x3072x768xbf16> to vector<3072x768xbf16>
    %dot_general3A_42 = arith.constant dense<0.000000e+00> : vector<256x3072xf32>
    %dot_general3A_43 = tpu.matmul %convert_element_type3A_24, %get3A_41, %dot_general3A_42 {dimension_numbers = #tpu.dot_dimension_numbers<[1], [1], [0], [0], [0, 0, 1, 0], [], []>, transpose_lhs_hint = false} : vector<256x768xbf16>, vector<3072x768xbf16>, vector<256x3072xf32> -> vector<256x3072xf32>
    %get3A_44 = arith.constant 0 : index
    %get3A_45 = arith.constant 0 : index
    %get3A_46 = arith.constant 0 : index
    %get3A_47 = vector.load %arg10[%get3A_44, %get3A_45, %get3A_46] : memref<1x1x3072xf32, #tpu.memory_space<vmem>>, vector<1x1x3072xf32>
    %get3A_48 = vector.shape_cast %get3A_47 : vector<1x1x3072xf32> to vector<1x3072xf32>
    %add3A_49 = vector.broadcast %get3A_48 : vector<1x3072xf32> to vector<256x3072xf32>
    %add3A_50 = arith.addf %dot_general3A_43, %add3A_49 : vector<256x3072xf32>
    %mul3A = arith.constant 5.000000e-01 : f32
    %mul3A_51 = vector.broadcast %mul3A : f32 to vector<256x3072xf32>
    %mul3A_52 = arith.mulf %mul3A_51, %add3A_36 : vector<256x3072xf32>
    %mul3A_53 = arith.constant 0.707106769 : f32
    %mul3A_54 = vector.broadcast %mul3A_53 : f32 to vector<256x3072xf32>
    %mul3A_55 = arith.mulf %add3A_36, %mul3A_54 : vector<256x3072xf32>
    %erf3A = math.erf %mul3A_55 : vector<256x3072xf32>
    %add3A_56 = arith.constant 1.000000e+00 : f32
    %add3A_57 = vector.broadcast %add3A_56 : f32 to vector<256x3072xf32>
    %add3A_58 = arith.addf %add3A_57, %erf3A : vector<256x3072xf32>
    %mul3A_59 = arith.mulf %mul3A_52, %add3A_58 : vector<256x3072xf32>
    %mul3A_60 = arith.mulf %mul3A_59, %add3A_50 : vector<256x3072xf32>
    %convert_element_type3A_61 = arith.truncf %mul3A_60 : vector<256x3072xf32> to vector<256x3072xbf16>
    %get3A_62 = arith.index_cast %get3A_0 : i32 to index
    %get3A_63 = arith.constant 0 : index
    %get3A_64 = arith.constant 0 : index
    %get3A_65 = vector.load %arg17[%get3A_62, %get3A_63, %get3A_64] : memref<2x768x3072xbf16, #tpu.memory_space<vmem>>, vector<1x768x3072xbf16>
    %get3A_66 = vector.shape_cast %get3A_65 : vector<1x768x3072xbf16> to vector<768x3072xbf16>
    %dot_general3A_67 = arith.constant dense<0.000000e+00> : vector<256x768xf32>
    %dot_general3A_68 = tpu.matmul %convert_element_type3A_61, %get3A_66, %dot_general3A_67 {dimension_numbers = #tpu.dot_dimension_numbers<[1], [1], [0], [0], [0, 0, 1, 0], [], []>, transpose_lhs_hint = false} : vector<256x3072xbf16>, vector<768x3072xbf16>, vector<256x768xf32> -> vector<256x768xf32>
    %get3A_69 = arith.constant 0 : index
    %get3A_70 = arith.constant 0 : index
    %get3A_71 = arith.constant 0 : index
    %get3A_72 = vector.load %arg12[%get3A_69, %get3A_70, %get3A_71] : memref<1x1x768xf32, #tpu.memory_space<vmem>>, vector<1x1x768xf32>
    %get3A_73 = vector.shape_cast %get3A_72 : vector<1x1x768xf32> to vector<1x768xf32>
    %add3A_74 = vector.broadcast %get3A_73 : vector<1x768xf32> to vector<256x768xf32>
    %add3A_75 = arith.addf %dot_general3A_68, %add3A_74 : vector<256x768xf32>
    %get3A_76 = arith.constant 0 : index
    %get3A_77 = arith.constant 0 : index
    %get3A_78 = vector.load %arg13[%get3A_76, %get3A_77] : memref<256x1xf32, #tpu.memory_space<vmem>>, vector<256x1xf32>
    %mul3A_79 = vector.broadcast %get3A_78 : vector<256x1xf32> to vector<256x768xf32>
    %mul3A_80 = arith.mulf %add3A_75, %mul3A_79 : vector<256x768xf32>
    %swap3A = arith.constant 0 : index
    %swap3A_81 = arith.constant 0 : index
    %swap3A_82 = vector.load %arg14[%swap3A, %swap3A_81] : memref<256x768xf32, #tpu.memory_space<vmem>>, vector<256x768xf32>
    tpu.vector_store %arg14[%swap3A, %swap3A_81], %mul3A_80 {strides = array<i32>} : memref<256x768xf32, #tpu.memory_space<vmem>>, vector<256x768xf32>,
    return
  }
  func.func @transform_0(%arg0: i32, %arg1: memref<24xi32, #tpu.memory_space<smem>>, %arg2: memref<24xi32, #tpu.memory_space<smem>>, %arg3: memref<24xi32, #tpu.memory_space<smem>>, %arg4: memref<24xi32, #tpu.memory_space<smem>>, %arg5: memref<24xi32, #tpu.memory_space<smem>>) -> (i32, i32) {
    %c0_i32 = arith.constant 0 : i32
    %c0_i32_0 = arith.constant 0 : i32
    return %arg0, %c0_i32 : i32, i32
  }
  func.func @transform_2(%arg0: i32, %arg1: memref<24xi32, #tpu.memory_space<smem>>, %arg2: memref<24xi32, #tpu.memory_space<smem>>, %arg3: memref<24xi32, #tpu.memory_space<smem>>, %arg4: memref<24xi32, #tpu.memory_space<smem>>, %arg5: memref<24xi32, #tpu.memory_space<smem>>) -> (i32, i32, i32) {
    %get3A = arith.index_cast %arg0 : i32 to index
    %get3A_0 = memref.load %arg1[%get3A] : memref<24xi32, #tpu.memory_space<smem>>
    %c0_i32 = arith.constant 0 : i32
    %c0_i32_1 = arith.constant 0 : i32
    %c0_i32_2 = arith.constant 0 : i32
    return %get3A_0, %c0_i32, %c0_i32_1 : i32, i32, i32
  }
  func.func @transform_4(%arg0: i32, %arg1: memref<24xi32, #tpu.memory_space<smem>>, %arg2: memref<24xi32, #tpu.memory_space<smem>>, %arg3: memref<24xi32, #tpu.memory_space<smem>>, %arg4: memref<24xi32, #tpu.memory_space<smem>>, %arg5: memref<24xi32, #tpu.memory_space<smem>>) -> (i32, i32, i32) {
    %get3A = arith.index_cast %arg0 : i32 to index
    %get3A_0 = memref.load %arg1[%get3A] : memref<24xi32, #tpu.memory_space<smem>>
    %c0_i32 = arith.constant 0 : i32
    %c0_i32_1 = arith.constant 0 : i32
    %c0_i32_2 = arith.constant 0 : i32
    return %get3A_0, %c0_i32, %c0_i32_1 : i32, i32, i32
  }
  func.func @transform_6(%arg0: i32, %arg1: memref<24xi32, #tpu.memory_space<smem>>, %arg2: memref<24xi32, #tpu.memory_space<smem>>, %arg3: memref<24xi32, #tpu.memory_space<smem>>, %arg4: memref<24xi32, #tpu.memory_space<smem>>, %arg5: memref<24xi32, #tpu.memory_space<smem>>) -> (i32, i32, i32) {
    %get3A = arith.index_cast %arg0 : i32 to index
    %get3A_0 = memref.load %arg1[%get3A] : memref<24xi32, #tpu.memory_space<smem>>
    %c0_i32 = arith.constant 0 : i32
    %c0_i32_1 = arith.constant 0 : i32
    %c0_i32_2 = arith.constant 0 : i32
    return %get3A_0, %c0_i32, %c0_i32_1 : i32, i32, i32
  }
  func.func @transform_7(%arg0: i32, %arg1: memref<24xi32, #tpu.memory_space<smem>>, %arg2: memref<24xi32, #tpu.memory_space<smem>>, %arg3: memref<24xi32, #tpu.memory_space<smem>>, %arg4: memref<24xi32, #tpu.memory_space<smem>>, %arg5: memref<24xi32, #tpu.memory_space<smem>>) -> (i32, i32) {
    %c0_i32 = arith.constant 0 : i32
    %c0_i32_0 = arith.constant 0 : i32
    return %arg0, %c0_i32 : i32, i32
  }
  func.func @transform_8(%arg0: i32, %arg1: memref<24xi32, #tpu.memory_space<smem>>, %arg2: memref<24xi32, #tpu.memory_space<smem>>, %arg3: memref<24xi32, #tpu.memory_space<smem>>, %arg4: memref<24xi32, #tpu.memory_space<smem>>, %arg5: memref<24xi32, #tpu.memory_space<smem>>) -> (i32, i32) {
    %c0_i32 = arith.constant 0 : i32
    %c0_i32_0 = arith.constant 0 : i32
    return %arg0, %c0_i32 : i32, i32
  }
}

</mosaic_0001>

<sc_bundles>
// kernel: kernel.6.cloned.1.call-start
scs
__scs_entry_jumppad:
0x0: {  	(pc) =	sbr.rel $0x88, $3  }
0x1: {  	(tag) =	ssettag $0x0;
	lr =	simm.s32 $0x1  }
0x2: {  	[smem:$0x3F98] =	sst lr;
	_ =	strace $0xD0000000  }
0x3: {  	_ = 	snop  }
0x4: {  	_ = 	snop  }
0x5: {  	_ = 	snop  }
0x6: {  	_ = 	snop  }
0x7: {  	_ = 	snop  }
__scs_overlays_trampoline_lowered:
0x8: {  	[smem:$0x3FA7] =	sst s0  }
0x9: {  	[smem:$0x3FA8] =	sst s1  }
0xa: {  	[smem:$0x3FA9] =	sst s2  }
0xb: {  	[smem:$0x3FAA] =	sst s3  }
0xc: {  	[smem:$0x3FAB] =	sst s4  }
0xd: {  	[smem:$0x3FAC] =	sst s5  }
0xe: {  	[smem:$0x3FAD] =	sst s6  }
0xf: {  	[smem:$0x3FAE] =	sst s7  }
0x10: {  	[smem:$0x3FAF] =	sst s8  }
0x11: {  	[smem:$0x3FB0] =	sst s9;
	s0 =	simm.s32 @!p0 $0x0  }
0x12: {  	s1 =	sld [smem:$0x3F96];
	s0 =	simm.s32 @p0 $0x1  }
0x13: {  	[smem:$0x3FB1] =	sst s0;
	s0 =	simm.s32 @!p1 $0x0  }
0x14: {  	s2 =	sld [smem:$0x3F95];
	s0 =	simm.s32 @p1 $0x1  }
0x15: {  	[smem:$0x3FB2] =	sst s0;
	s0 =	simm.s32 @!p2 $0x0  }
0x16: {  	s3 =	sld [smem:$0x3FDB];
	s0 =	simm.s32 @p2 $0x1  }
0x17: {  	s4 =	simm.s32 $0x1BF5;
	[smem:$0x3FB4] =	sst s0  }
0x18: {  	s0 =	sld [smem:$0x3F97];
	_ =	swait.ge [sflag:s4], $0x0  }
0x19: {  	s7 =	sld [smem:$0x3F98]  }
0x1a: {  	s8 =	sadd.s32 $0xFFFFE003, lr  }
0x1b: {  	s9 =	sadd.s32 $0xFFFFFEF7, lr;
	s5 =	simm.s32 $0xFFFFFFFF;
	p2 =	slt.u32 s8, $0xFFFFF086  }
0x1c: {  	p1 =	slt.u32 s9, $0xF7A;
	s5 =	simm.s32 @!p2 $0x0  }
0x1d: {  	s5 =	simm.s32 @p1 $0x1;
	p0 =	seq.s32 s7, s2  }
0x1e: {  	s7 =	smul.u32 @!p0 $0xF7A, s2;
	p2 =	seq.s32 @!p0 s5, $0x0  }
0x1f: {  	s9 =	smul.u32 $0xF7A, s1;
	s8 =	simm.s32 @!p0 $0x1BF5;
	p2 =	por !p2, p0  }
0x20: {  	[sflag:s8] =	ssyncset.s32 @!p0 $0xFFFFF086;
	s6 =	sadd.s32 @!p0 s3, s7;
	s7 =	simm.s32 @!p0 $0x108  }
0x21: {  	s3 =	sadd.s32 s3, s9;
	s6 =	sadd.s32 @!p0 $0x88, s6;
	s7 =	simm.s32 @p2 $0x1082  }
0x22: {  	[simem:s7], [sflag:s8] =	dma.local @!p0 [hbm:s6], $0xF7A  }
0x23: {  	s9 =	sor.u32 $0xD0000000, s2;
	s6 =	simm.s32 $0x108;
	_ =	swait.ge @!p0 [sflag:s8], $0x0  }
0x24: {  	s3 =	sadd.s32 $0x88, s3;
	s6 =	simm.s32 @!p1 $0x1082;
	[sflag:s4] =	ssyncset.s32 $0xFFFFF086  }
0x25: {  	[simem:s6], [sflag:s4] =	dma.local [hbm:s3], $0xF7A  }
0x26: {  	[smem:$0x3F98] =	sst s1;
	(tag) =	ssettag s2;
	_ =	strace s9  }
0x27: {  	s1 =	sld [smem:$0x3FA8]  }
0x28: {  	s2 =	sld [smem:$0x3FA9]  }
0x29: {  	s4 =	sld [smem:$0x3FAB]  }
0x2a: {  	p0 =	seq.s32 s5, $0x0;
	s5 =	sld [smem:$0x3FAC]  }
0x2b: {  	s6 =	sld [smem:$0x3FAD]  }
0x2c: {  	s7 =	sld [smem:$0x3FAE]  }
0x2d: {  	s3 =	simm.s32 $0x108;
	s8 =	sld [smem:$0x3FAF]  }
0x2e: {  	s3 =	simm.s32 @!p0 $0x1082;
	s9 =	sld [smem:$0x3FB0]  }
0x2f: {  	lr =	sadd.s32 s0, s3;
	s0 =	sld [smem:$0x3FA7]  }
0x30: {  	s3 =	sld [smem:$0x3FAA]  }
0x31: {  	[smem:$0x3FB3] =	sst s10  }
0x32: {  	s10 =	sld [smem:$0x3FB1];
	_ =	sdelay $0x3  }
0x33: {  	p0 =	seq.s32 s10, $0x1;
	s10 =	sld [smem:$0x3FB3];
	_ =	sdelay $0x3  }
0x34: {  	[smem:$0x3FB3] =	sst s10  }
0x35: {  	s10 =	sld [smem:$0x3FB2];
	_ =	sdelay $0x3  }
0x36: {  	p1 =	seq.s32 s10, $0x1;
	s10 =	sld [smem:$0x3FB3];
	_ =	sdelay $0x3  }
0x37: {  	[smem:$0x3FB3] =	sst s10  }
0x38: {  	s10 =	sld [smem:$0x3FB4]  }
0x39: {  	_ = 	snop;
	(pc) =	sbr.ind lr, $3  }
0x3a: {  	_ = 	snop  }
0x3b: {  	_ = 	snop  }
0x3c: {  	p2 =	seq.s32 s10, $0x1;
	s10 =	sld [smem:$0x3FB3]  }
0x3d: {  	_ =	shalt  }
0x3e: {  	_ =	shalt  }
0x3f: {  	_ =	shalt  }
0x40: {  	_ =	shalt  }
0x41: {  	_ =	shalt  }
0x42: {  	_ =	shalt  }
0x43: {  	_ =	shalt  }
0x44: {  	_ =	shalt  }
0x45: {  	_ =	shalt  }
0x46: {  	_ =	shalt  }
0x47: {  	_ =	shalt  }
0x48: {  	_ =	shalt  }
0x49: {  	_ =	shalt  }
0x4a: {  	_ =	shalt  }
0x4b: {  	_ =	shalt  }
0x4c: {  	_ =	shalt  }
0x4d: {  	_ =	shalt  }
0x4e: {  	_ =	shalt  }
0x4f: {  	_ =	shalt  }
0x50: {  	_ =	shalt  }
0x51: {  	_ =	shalt  }
0x52: {  	_ =	shalt  }
0x53: {  	_ =	shalt  }
0x54: {  	_ =	shalt  }
0x55: {  	_ =	shalt  }
0x56: {  	_ =	shalt  }
0x57: {  	_ =	shalt  }
0x58: {  	_ =	shalt  }
0x59: {  	_ =	shalt  }
0x5a: {  	_ =	shalt  }
0x5b: {  	_ =	shalt  }
0x5c: {  	_ =	shalt  }
0x5d: {  	_ =	shalt  }
0x5e: {  	_ =	shalt  }
0x5f: {  	_ =	shalt  }
0x60: {  	_ =	shalt  }
0x61: {  	_ =	shalt  }
0x62: {  	_ =	shalt  }
0x63: {  	_ =	shalt  }
0x64: {  	_ =	shalt  }
0x65: {  	_ =	shalt  }
0x66: {  	_ =	shalt  }
0x67: {  	_ =	shalt  }
0x68: {  	_ =	shalt  }
0x69: {  	_ =	shalt  }
0x6a: {  	_ =	shalt  }
0x6b: {  	_ =	shalt  }
0x6c: {  	_ =	shalt  }
0x6d: {  	_ =	shalt  }
0x6e: {  	_ =	shalt  }
0x6f: {  	_ =	shalt  }
0x70: {  	_ =	shalt  }
0x71: {  	_ =	shalt  }
0x72: {  	_ =	shalt  }
0x73: {  	_ =	shalt  }
0x74: {  	_ =	shalt  }
0x75: {  	_ =	shalt  }
0x76: {  	_ =	shalt  }
0x77: {  	_ =	shalt  }
0x78: {  	_ =	shalt  }
0x79: {  	_ =	shalt  }
0x7a: {  	_ =	shalt  }
0x7b: {  	_ =	shalt  }
0x7c: {  	_ =	shalt  }
0x7d: {  	_ =	shalt  }
0x7e: {  	_ =	shalt  }
0x7f: {  	_ =	shalt  }
0x80: {  	_ =	shalt  }
0x81: {  	_ =	shalt  }
0x82: {  	_ =	shalt  }
0x83: {  	_ =	shalt  }
0x84: {  	_ =	shalt  }
0x85: {  	_ =	shalt  }
0x86: {  	_ =	shalt  }
0x87: {  	_ =	shalt  }
.Lfunc_end0:
.L_simem_size_0:
called_computation_lowered:
.L_overlay_start_0:
0x88: {  	s2 =	sld [smem:$0x3FD9]  }
0x89: {  	s3 =	sld [smem:$0x3FFE];
	_ =	sdelay $0x1  }
0x8a: {  	s1 =	srdreg.scid  }
0x8b: {  	s0 =	sand.u32 $0x1, s1  }
0x8c: {  	s17 =	sshll.u32 s0, $0xA;
	s2 =	sadd.s32 s3, s2  }
0x8d: {  	s2 =	sadd.s32 s2, s17  }
0x8e: {  	[smem:$0x3FBF] =	sst s2  }
0x8f: {  	_ = 	snop  }
0x90: {  	s2 =	sld [smem:$0x3FC9];
	(tm) =	ssettm $0x1  }
0x91: {  	s18 =	sld [smem:$0x3FFB];
	_ =	sdelay $0x3  }
0x92: {  	_ =	strace s18  }
0x93: {  	s3 =	sld [smem:$0x3FFC];
	_ =	sdelay $0x3  }
0x94: {  	_ =	strace s3  }
0x95: {  	s3 =	sld [smem:$0x3FFD];
	_ =	sdelay $0x3  }
0x96: {  	_ =	strace s3  }
0x97: {  	_ =	strace $0x8FFFFFFF  }
0x98: {  	s19 =	sld [smem:$0x3FDB];
	_ =	sdelay $0x1  }
0x99: {  	s4 =	simm.s32 $_scs_section_size  }
0x9a: {  	s5 =	simm.s32 $_size__tile_overlayer_lowered;
	s6 =	simm.s32 $_tile_overlayer_lowered  }
0x9b: {  	s22 =	simm.s32 $0x1BFF;
	s21 =	sshll.u32 s6, $0x1;
	s3 =	sadd.s32 s4, s19  }
0x9c: {  	s7 =	simm.s32 $0x0;
	s20 =	sshll.u32 s5, $0x1;
	s5 =	sadd.s32 s21, s3  }
0x9d: {  	[timem:s7], [sflag:s22] =	dma.local [hbm:s5], s20  }
0x9e: {  	_ =	swait.ge [sflag:s22], s20  }
0x9f: {  	s4 =	ssub.s32 $0x0, s20;
	[sflag:s22] =	ssyncset.done $0x0  }
0xa0: {  	[sflag:s22] =	ssyncadd.s32 s4;
	_ =	sdelay $0x1  }
0xa1: {  	s23 =	simm.s32 $0x1B8B  }
0xa2: {  	_ =	swait.ge [sflag:s23], $0x1  }
0xa3: {  	[sflag:s23] =	ssyncset.done $0x0  }
0xa4: {  	s25 =	simm.s32 $0x1B8E;
	s24 =	sld [smem:$0x3FFE];
	[sflag:s23] =	ssyncadd.s32 $0xFFFFFFFF  }
0xa5: {  	s26 =	simm.s32 $execute0_lowered;
	[smem:$0x3FD2] =	sst s25  }
0xa6: {  	s5 =	sshll.u32 s26, $0x1;
	_ =	strace $0x80000046;
	[dreg:$0x1] =	wrdreg $0xFFFFFFFF  }
0xa7: {  	s28 =	simm.s32 $_size_execute0_lowered;
	s3 =	sadd.s32 s3, s5;
	[dreg:$0x0] =	wrdreg $0x0  }
0xa8: {  	s5 =	sshll.u32 s28, $0x1;
	[dreg:$0x2] =	wrdreg s3  }
0xa9: {  	[dreg:$0x3] =	wrdreg s5  }
0xaa: {  	[dreg:$0x4] =	wrdreg $0xC0  }
0xab: {  	_ =	task [dreg:s7], $0x5FFFF  }
0xac: {  	[dreg:$0x1] =	wrdreg $0xFFFFFFFF  }
0xad: {  	[dreg:$0x0] =	wrdreg $0x60  }
0xae: {  	[dreg:$0x2] =	wrdreg s2  }
0xaf: {  	[dreg:$0x3] =	wrdreg s24  }
0xb0: {  	[dreg:$0x4] =	wrdreg $0x9  }
0xb1: {  	_ =	task.clear_ibuf [dreg:s7], $0x5FFFF;
	_ =	strace $0x90000046  }
0xb2: {  	s29 =	simm.s32 $0x9;
	_ =	strace $0x80000048  }
0xb3: {  	_ =	swait.ge [sflag:s29], $0x1  }
0xb4: {  	[sflag:s29] =	ssyncadd.s32 $0xFFFFFFFF  }
0xb5: {  	_ =	strace $0x90000048  }
0xb6: {  	_ =	sfence  }
0xb7: {  	s30 =	sld [smem:$0x0];
	_ =	sdelay $0x2  }
0xb8: {  	s31 =	sshll.u32 s1, $0xD;
	s1 =	sshrl.u32 s1, $0x2  }
0xb9: {  	s3 =	sand.u32 $0x4000, s31;
	s1 =	sadd.s32 s1, s30  }
0xba: {  	s0 =	sor.u32 s3, s0;
	s1 =	sshll.u32 s1, $0x11  }
0xbb: {  	s0 =	sor.u32 s1, s0  }
0xbc: {  	s0 =	sadd.s32 $0x8F2B, s0  }
0xbd: {  	[sflag:s0] =	ssyncadd.remote.s32 $0x1  }
0xbe: {  	_ =	sfence.sel $0xFFFF  }
0xbf: {  	[dreg:$0x0] =	wrdreg $0xFFFFFFFF;
	(pc) =	sbr.abs _section_cstart, $3  }
0xc0: {  	[dreg:$0x1] =	wrdreg $0xFFFFFFFF  }
0xc1: {  	_ =	task.clear_ibuf [dreg:s7], $0x2FFFF;
	_ =	strace $0x9FFFFFFF  }
0xc2: {  	(tm) =	ssettm $0x7FFFFFFF  }
0xc3: {  	_ =	shalt  }
tec
execute0_lowered:
.L_overlay_start_1:
0x0: {  	(tag) =	ssettag $0x1  }
0x1: {  	s0 =	srdreg.scid  }
0x2: {  	s1 =	rddreg [dreg:$0x0];
	s2 =	stileid.u32  }
0x3: {  	s4 =	rddreg [dreg:$0x1];
	s26 =	simm.s32 $0x80;
	s8 =	simm.s32 $0x100  }
0x4: {  	s9 =	simm.s32 $0x2;
	s12 =	simm.s32 $0x1900;
	s13 =	simm.s32 $0x2100  }
0x5: {  	s14 =	simm.s32 $0x2900;
	s15 =	simm.s32 $0x3100;
	s16 =	simm.s32 $0x3900  }
0x6: {  	s17 =	simm.s32 $0x4100;
	s18 =	simm.s32 $0x4900;
	s19 =	simm.s32 $0x5100  }
0x7: {  	s20 =	simm.s32 $0x5900;
	s21 =	simm.s32 $0x6100;
	s22 =	simm.s32 $0x6900  }
0x8: {  	s28 =	simm.s32 $0x9100;
	s29 =	simm.s32 $0x9900;
	s30 =	simm.s32 $0xA100  }
0x9: {  	s0 =	sand.u32 $0x1, s0;
	s3 =	sshll.u32 s2, $0x4;
	s2 =	simm.s32 $0x0  }
0xa: {  	s31 =	simm.s32 $0xA900;
	s5 =	sshll.u32 s0, $0x3;
	[smem:$0x7FF] =	sst s2  }
0xb: {  	s0 =	ssub.s32 $0x2, s0;
	s5 =	sor.u32 s5, s3;
	_ =	strace $0x80000047  }
0xc: {  	s3 =	sadd.s32 $0x400, s4;
	s24 =	sshrl.u32 s0, $0x1;
	[dreg:$0x5] =	wrdreg s26  }
0xd: {  	s26 =	simm.s32 $0x8900;
	s6 =	smul.u32 $0x300, s5;
	s23 =	sadd.s32 s4, s5  }
0xe: {  	s0 =	ssub.s32 s0, s24;
	s5 =	sadd.s32 $0x500, s4;
	s24 =	simm.s32 $0x7900  }
0xf: {  	[dreg:$0x6] =	wrdreg s23;
	s25 =	sadd.s32 $0x200, s23;
	s7 =	smax.u32 s0, $0x1  }
0x10: {  	v2 =	vlaneseq.u32;
	s23 =	simm.s32 $0x7100;
	s0 =	simm.s32 $0xB900;
	s1 =	sadd.s32 s1, s6  }
0x11: {  	vm0 =	vmmov $0xffff;
	v1 =	vshrl.u32 v2, $0x3;
	[dreg:$0x4] =	wrdreg s25;
	s6 =	sadd.s32 $0x600, s4;
	s25 =	simm.s32 $0x8100  }
0x12: {  	v0 =	vand.u32 $0x7, v2;
	v2 =	vor.u32 $0x8, v2;
	v1 =	vmul.u32 $0x8, v1;
	s4 =	simm.s32 $0x1;
	[dreg:$0x3] =	wrdreg s1;
	s1 =	simm.s32 $0xB100  }
.LBB2_1:
0x13: {  	s10 =	rddreg [dreg:$0x3]  }
0x14: {  	[tilespmem:s8], [sflag:$0x2] =	stream.linear.gather [hbm4b:s10+s2], $0xC000, $0x38;
	[tilespmem:$0xC100] =	vst v63  }
0x15: {  	_ =	swait.ge [sflag:s9], $0xC000  }
0x16: {  	[sflag:s9] =	ssyncset.done $0x0  }
0x17: {  	s11 =	rddreg [dreg:$0x4];
	[sflag:s9] =	ssyncadd.s32 $0xFFFF4000  }
0x18: {  	[tilespmem:s2], [sflag:$0x2] =	stream.linear.gather [hbm4b:s11+s2], $0x40, $0x38;
	[tilespmem:$0xC100] =	vst v63  }
0x19: {  	_ =	swait.ge [sflag:s9], $0x40  }
0x1a: {  	s10 =	rddreg [dreg:$0x5];
	[sflag:s9] =	ssyncset.done $0x0  }
0x1b: {  	s11 =	rddreg [dreg:$0x6];
	[sflag:s9] =	ssyncadd.s32 $0xFFFFFFC0  }
0x1c: {  	[tilespmem:s10], [sflag:$0x2] =	stream.linear.gather [hbm4b:s11+s2], $0x40, $0x38;
	[tilespmem:$0xC100] =	vst v63  }
0x1d: {  	_ =	swait.ge [sflag:s9], $0x40  }
0x1e: {  	[sflag:s9] =	ssyncset.done $0x0  }
0x1f: {  	[sflag:s9] =	ssyncadd.s32 $0xFFFFFFC0  }
0x20: {  	v3 =	vld [tilespmem:$0x0];
	_ =	sdelay $0x4  }
0x21: {  	v4 =	vshrl.u32 v3, $0x3  }
0x22: {  	v4 =	vmul.u32 $0x30, v4  }
0x23: {  	v3 =	vand.u32 $0x7, v3  }
0x24: {  	v3 =	vor.u32 v3, v4  }
0x25: {  	v4 =	vperm.xlane v3, v0;
	_ =	sdelay $0x1  }
0x26: {  	v4 =	vadd.s32 v1, v4;
	_ =	sdelay $0x3  }
0x27: {  	v3 =	vperm.xlane v3, v2  }
0x28: {  	[hbm4b:s3+s2] =	stream.indirect_vreg.scatter [tilespmem:s8], [sflag:$0x1], $0x80, v4, vm0, $0xb8;
	[tilespmem:$0xC100] =	vst v63  }
0x29: {  	s10 =	simm.s32 $0x900;
	v3 =	vadd.s32 v1, v3  }
0x2a: {  	[hbm4b:s5+s2] =	stream.indirect_vreg.scatter [tilespmem:s10], [sflag:$0x1], $0x80, v4, vm0, $0xb8;
	[tilespmem:$0xC100] =	vst v63  }
0x2b: {  	s11 =	simm.s32 $0x1100  }
0x2c: {  	[hbm4b:s6+s2] =	stream.indirect_vreg.scatter [tilespmem:s11], [sflag:$0x1], $0x80, v4, vm0, $0xb8;
	[tilespmem:$0xC100] =	vst v63  }
0x2d: {  	_ = 	snop  }
0x2e: {  	[hbm4b:s3+s2] =	stream.indirect_vreg.scatter [tilespmem:s12], [sflag:$0x1], $0x80, v3, vm0, $0xb8;
	[tilespmem:$0xC100] =	vst v63  }
0x2f: {  	_ = 	snop  }
0x30: {  	[hbm4b:s5+s2] =	stream.indirect_vreg.scatter [tilespmem:s13], [sflag:$0x1], $0x80, v3, vm0, $0xb8;
	[tilespmem:$0xC100] =	vst v63  }
0x31: {  	_ = 	snop  }
0x32: {  	[hbm4b:s6+s2] =	stream.indirect_vreg.scatter [tilespmem:s14], [sflag:$0x1], $0x80, v3, vm0, $0xb8;
	[tilespmem:$0xC100] =	vst v63  }
0x33: {  	v3 =	vld [tilespmem:$0x10];
	_ =	sdelay $0x4  }
0x34: {  	v57 =	vshrl.u32 v3, $0x3  }
0x35: {  	v4 =	vmul.u32 $0x30, v57  }
0x36: {  	v3 =	vand.u32 $0x7, v3  }
0x37: {  	v3 =	vor.u32 v3, v4  }
0x38: {  	v4 =	vperm.xlane v3, v0;
	_ =	sdelay $0x1  }
0x39: {  	v4 =	vadd.s32 v1, v4;
	_ =	sdelay $0x3  }
0x3a: {  	v3 =	vperm.xlane v3, v2  }
0x3b: {  	[hbm4b:s3+s2] =	stream.indirect_vreg.scatter [tilespmem:s15], [sflag:$0x1], $0x80, v4, vm0, $0xb8;
	[tilespmem:$0xC100] =	vst v63  }
0x3c: {  	v3 =	vadd.s32 v1, v3  }
0x3d: {  	[hbm4b:s5+s2] =	stream.indirect_vreg.scatter [tilespmem:s16], [sflag:$0x1], $0x80, v4, vm0, $0xb8;
	[tilespmem:$0xC100] =	vst v63  }
0x3e: {  	_ = 	snop  }
0x3f: {  	[hbm4b:s6+s2] =	stream.indirect_vreg.scatter [tilespmem:s17], [sflag:$0x1], $0x80, v4, vm0, $0xb8;
	[tilespmem:$0xC100] =	vst v63  }
0x40: {  	_ = 	snop  }
0x41: {  	[hbm4b:s3+s2] =	stream.indirect_vreg.scatter [tilespmem:s18], [sflag:$0x1], $0x80, v3, vm0, $0xb8;
	[tilespmem:$0xC100] =	vst v63  }
0x42: {  	_ = 	snop  }
0x43: {  	[hbm4b:s5+s2] =	stream.indirect_vreg.scatter [tilespmem:s19], [sflag:$0x1], $0x80, v3, vm0, $0xb8;
	[tilespmem:$0xC100] =	vst v63  }
0x44: {  	_ = 	snop  }
0x45: {  	[hbm4b:s6+s2] =	stream.indirect_vreg.scatter [tilespmem:s20], [sflag:$0x1], $0x80, v3, vm0, $0xb8;
	[tilespmem:$0xC100] =	vst v63  }
0x46: {  	v3 =	vld [tilespmem:$0x20];
	_ =	sdelay $0x4  }
0x47: {  	v58 =	vshrl.u32 v3, $0x3  }
0x48: {  	v4 =	vmul.u32 $0x30, v58  }
0x49: {  	v3 =	vand.u32 $0x7, v3  }
0x4a: {  	v3 =	vor.u32 v3, v4  }
0x4b: {  	v4 =	vperm.xlane v3, v0;
	_ =	sdelay $0x1  }
0x4c: {  	v4 =	vadd.s32 v1, v4;
	_ =	sdelay $0x3  }
0x4d: {  	v3 =	vperm.xlane v3, v2  }
0x4e: {  	[hbm4b:s3+s2] =	stream.indirect_vreg.scatter [tilespmem:s21], [sflag:$0x1], $0x80, v4, vm0, $0xb8;
	[tilespmem:$0xC100] =	vst v63  }
0x4f: {  	v3 =	vadd.s32 v1, v3  }
0x50: {  	[hbm4b:s5+s2] =	stream.indirect_vreg.scatter [tilespmem:s22], [sflag:$0x1], $0x80, v4, vm0, $0xb8;
	[tilespmem:$0xC100] =	vst v63  }
0x51: {  	_ = 	snop  }
0x52: {  	[hbm4b:s6+s2] =	stream.indirect_vreg.scatter [tilespmem:s23], [sflag:$0x1], $0x80, v4, vm0, $0xb8;
	[tilespmem:$0xC100] =	vst v63  }
0x53: {  	_ = 	snop  }
0x54: {  	[hbm4b:s3+s2] =	stream.indirect_vreg.scatter [tilespmem:s24], [sflag:$0x1], $0x80, v3, vm0, $0xb8;
	[tilespmem:$0xC100] =	vst v63  }
0x55: {  	_ = 	snop  }
0x56: {  	[hbm4b:s5+s2] =	stream.indirect_vreg.scatter [tilespmem:s25], [sflag:$0x1], $0x80, v3, vm0, $0xb8;
	[tilespmem:$0xC100] =	vst v63  }
0x57: {  	_ = 	snop  }
0x58: {  	[hbm4b:s6+s2] =	stream.indirect_vreg.scatter [tilespmem:s26], [sflag:$0x1], $0x80, v3, vm0, $0xb8;
	[tilespmem:$0xC100] =	vst v63  }
0x59: {  	v3 =	vld [tilespmem:$0x30];
	_ =	sdelay $0x4  }
0x5a: {  	v59 =	vshrl.u32 v3, $0x3  }
0x5b: {  	v4 =	vmul.u32 $0x30, v59  }
0x5c: {  	v3 =	vand.u32 $0x7, v3  }
0x5d: {  	v3 =	vor.u32 v3, v4  }
0x5e: {  	v4 =	vperm.xlane v3, v0;
	_ =	sdelay $0x1  }
0x5f: {  	v4 =	vadd.s32 v1, v4;
	_ =	sdelay $0x3  }
0x60: {  	v3 =	vperm.xlane v3, v2  }
0x61: {  	[hbm4b:s3+s2] =	stream.indirect_vreg.scatter [tilespmem:s28], [sflag:$0x1], $0x80, v4, vm0, $0xb8;
	[tilespmem:$0xC100] =	vst v63  }
0x62: {  	v3 =	vadd.s32 v1, v3  }
0x63: {  	[hbm4b:s5+s2] =	stream.indirect_vreg.scatter [tilespmem:s29], [sflag:$0x1], $0x80, v4, vm0, $0xb8;
	[tilespmem:$0xC100] =	vst v63  }
0x64: {  	_ = 	snop  }
0x65: {  	[hbm4b:s6+s2] =	stream.indirect_vreg.scatter [tilespmem:s30], [sflag:$0x1], $0x80, v4, vm0, $0xb8;
	[tilespmem:$0xC100] =	vst v63  }
0x66: {  	_ = 	snop  }
0x67: {  	[hbm4b:s3+s2] =	stream.indirect_vreg.scatter [tilespmem:s31], [sflag:$0x1], $0x80, v3, vm0, $0xb8;
	[tilespmem:$0xC100] =	vst v63  }
0x68: {  	_ = 	snop  }
0x69: {  	[hbm4b:s5+s2] =	stream.indirect_vreg.scatter [tilespmem:s1], [sflag:$0x1], $0x80, v3, vm0, $0xb8;
	[tilespmem:$0xC100] =	vst v63  }
0x6a: {  	_ = 	snop  }
0x6b: {  	[hbm4b:s6+s2] =	stream.indirect_vreg.scatter [tilespmem:s0], [sflag:$0x1], $0x80, v3, vm0, $0xb8;
	[tilespmem:$0xC100] =	vst v63  }
0x6c: {  	v3 =	vld [tilespmem:$0x80];
	_ =	sdelay $0x4  }
0x6d: {  	v60 =	vshrl.u32 v3, $0x3  }
0x6e: {  	v4 =	vmul.u32 $0x30, v60  }
0x6f: {  	v3 =	vand.u32 $0x7, v3  }
0x70: {  	v3 =	vor.u32 v3, v4  }
0x71: {  	v4 =	vperm.xlane v3, v0;
	_ =	sdelay $0x1  }
0x72: {  	v4 =	vadd.s32 v1, v4;
	_ =	sdelay $0x3  }
0x73: {  	v3 =	vperm.xlane v3, v2  }
0x74: {  	[hbm4b:s3+s2] =	stream.indirect_vreg.scatter [tilespmem:s8], [sflag:$0x1], $0x80, v4, vm0, $0xb8;
	[tilespmem:$0xC100] =	vst v63  }
0x75: {  	v3 =	vadd.s32 v1, v3  }
0x76: {  	[hbm4b:s5+s2] =	stream.indirect_vreg.scatter [tilespmem:s10], [sflag:$0x1], $0x80, v4, vm0, $0xb8;
	[tilespmem:$0xC100] =	vst v63  }
0x77: {  	_ = 	snop  }
0x78: {  	[hbm4b:s6+s2] =	stream.indirect_vreg.scatter [tilespmem:s11], [sflag:$0x1], $0x80, v4, vm0, $0xb8;
	[tilespmem:$0xC100] =	vst v63  }
0x79: {  	_ = 	snop  }
0x7a: {  	[hbm4b:s3+s2] =	stream.indirect_vreg.scatter [tilespmem:s12], [sflag:$0x1], $0x80, v3, vm0, $0xb8;
	[tilespmem:$0xC100] =	vst v63  }
0x7b: {  	_ = 	snop  }
0x7c: {  	[hbm4b:s5+s2] =	stream.indirect_vreg.scatter [tilespmem:s13], [sflag:$0x1], $0x80, v3, vm0, $0xb8;
	[tilespmem:$0xC100] =	vst v63  }
0x7d: {  	_ = 	snop  }
0x7e: {  	[hbm4b:s6+s2] =	stream.indirect_vreg.scatter [tilespmem:s14], [sflag:$0x1], $0x80, v3, vm0, $0xb8;
	[tilespmem:$0xC100] =	vst v63  }
0x7f: {  	v3 =	vld [tilespmem:$0x90];
	_ =	sdelay $0x4  }
0x80: {  	v61 =	vshrl.u32 v3, $0x3  }
0x81: {  	v4 =	vmul.u32 $0x30, v61  }
0x82: {  	v3 =	vand.u32 $0x7, v3  }
0x83: {  	v3 =	vor.u32 v3, v4  }
0x84: {  	v4 =	vperm.xlane v3, v0;
	_ =	sdelay $0x1  }
0x85: {  	v4 =	vadd.s32 v1, v4;
	_ =	sdelay $0x3  }
0x86: {  	v3 =	vperm.xlane v3, v2  }
0x87: {  	[hbm4b:s3+s2] =	stream.indirect_vreg.scatter [tilespmem:s15], [sflag:$0x1], $0x80, v4, vm0, $0xb8;
	[tilespmem:$0xC100] =	vst v63  }
0x88: {  	v3 =	vadd.s32 v1, v3  }
0x89: {  	[hbm4b:s5+s2] =	stream.indirect_vreg.scatter [tilespmem:s16], [sflag:$0x1], $0x80, v4, vm0, $0xb8;
	[tilespmem:$0xC100] =	vst v63  }
0x8a: {  	_ = 	snop  }
0x8b: {  	[hbm4b:s6+s2] =	stream.indirect_vreg.scatter [tilespmem:s17], [sflag:$0x1], $0x80, v4, vm0, $0xb8;
	[tilespmem:$0xC100] =	vst v63  }
0x8c: {  	_ = 	snop  }
0x8d: {  	[hbm4b:s3+s2] =	stream.indirect_vreg.scatter [tilespmem:s18], [sflag:$0x1], $0x80, v3, vm0, $0xb8;
	[tilespmem:$0xC100] =	vst v63  }
0x8e: {  	_ = 	snop  }
0x8f: {  	[hbm4b:s5+s2] =	stream.indirect_vreg.scatter [tilespmem:s19], [sflag:$0x1], $0x80, v3, vm0, $0xb8;
	[tilespmem:$0xC100] =	vst v63  }
0x90: {  	_ = 	snop  }
0x91: {  	[hbm4b:s6+s2] =	stream.indirect_vreg.scatter [tilespmem:s20], [sflag:$0x1], $0x80, v3, vm0, $0xb8;
	[tilespmem:$0xC100] =	vst v63  }
0x92: {  	v3 =	vld [tilespmem:$0xA0];
	_ =	sdelay $0x4  }
0x93: {  	v62 =	vshrl.u32 v3, $0x3  }
0x94: {  	v4 =	vmul.u32 $0x30, v62  }
0x95: {  	v3 =	vand.u32 $0x7, v3  }
0x96: {  	v3 =	vor.u32 v3, v4  }
0x97: {  	v4 =	vperm.xlane v3, v0;
	_ =	sdelay $0x1  }
0x98: {  	v4 =	vadd.s32 v1, v4;
	_ =	sdelay $0x3  }
0x99: {  	v3 =	vperm.xlane v3, v2  }
0x9a: {  	[hbm4b:s3+s2] =	stream.indirect_vreg.scatter [tilespmem:s21], [sflag:$0x1], $0x80, v4, vm0, $0xb8;
	[tilespmem:$0xC100] =	vst v63  }
0x9b: {  	v3 =	vadd.s32 v1, v3  }
0x9c: {  	[hbm4b:s5+s2] =	stream.indirect_vreg.scatter [tilespmem:s22], [sflag:$0x1], $0x80, v4, vm0, $0xb8;
	[tilespmem:$0xC100] =	vst v63  }
0x9d: {  	_ = 	snop  }
0x9e: {  	[hbm4b:s6+s2] =	stream.indirect_vreg.scatter [tilespmem:s23], [sflag:$0x1], $0x80, v4, vm0, $0xb8;
	[tilespmem:$0xC100] =	vst v63  }
0x9f: {  	_ = 	snop  }
0xa0: {  	[hbm4b:s3+s2] =	stream.indirect_vreg.scatter [tilespmem:s24], [sflag:$0x1], $0x80, v3, vm0, $0xb8;
	[tilespmem:$0xC100] =	vst v63  }
0xa1: {  	_ = 	snop  }
0xa2: {  	[hbm4b:s5+s2] =	stream.indirect_vreg.scatter [tilespmem:s25], [sflag:$0x1], $0x80, v3, vm0, $0xb8;
	[tilespmem:$0xC100] =	vst v63  }
0xa3: {  	_ = 	snop  }
0xa4: {  	[hbm4b:s6+s2] =	stream.indirect_vreg.scatter [tilespmem:s26], [sflag:$0x1], $0x80, v3, vm0, $0xb8;
	[tilespmem:$0xC100] =	vst v63  }
0xa5: {  	v3 =	vld [tilespmem:$0xB0];
	_ =	sdelay $0x4  }
0xa6: {  	v63 =	vshrl.u32 v3, $0x3  }
0xa7: {  	v4 =	vmul.u32 $0x30, v63  }
0xa8: {  	v3 =	vand.u32 $0x7, v3  }
0xa9: {  	v3 =	vor.u32 v3, v4  }
0xaa: {  	v4 =	vperm.xlane v3, v0;
	_ =	sdelay $0x1  }
0xab: {  	v4 =	vadd.s32 v1, v4;
	_ =	sdelay $0x3  }
0xac: {  	v3 =	vperm.xlane v3, v2  }
0xad: {  	[hbm4b:s3+s2] =	stream.indirect_vreg.scatter [tilespmem:s28], [sflag:$0x1], $0x80, v4, vm0, $0xb8;
	[tilespmem:$0xC100] =	vst v63  }
0xae: {  	v3 =	vadd.s32 v1, v3  }
0xaf: {  	[hbm4b:s5+s2] =	stream.indirect_vreg.scatter [tilespmem:s29], [sflag:$0x1], $0x80, v4, vm0, $0xb8;
	[tilespmem:$0xC100] =	vst v63  }
0xb0: {  	_ = 	snop  }
0xb1: {  	[hbm4b:s6+s2] =	stream.indirect_vreg.scatter [tilespmem:s30], [sflag:$0x1], $0x80, v4, vm0, $0xb8;
	[tilespmem:$0xC100] =	vst v63  }
0xb2: {  	_ = 	snop  }
0xb3: {  	[hbm4b:s3+s2] =	stream.indirect_vreg.scatter [tilespmem:s31], [sflag:$0x1], $0x80, v3, vm0, $0xb8;
	[tilespmem:$0xC100] =	vst v63  }
0xb4: {  	_ = 	snop  }
0xb5: {  	[hbm4b:s5+s2] =	stream.indirect_vreg.scatter [tilespmem:s1], [sflag:$0x1], $0x80, v3, vm0, $0xb8;
	[tilespmem:$0xC100] =	vst v63  }
0xb6: {  	_ = 	snop  }
0xb7: {  	[hbm4b:s6+s2] =	stream.indirect_vreg.scatter [tilespmem:s0], [sflag:$0x1], $0x80, v3, vm0, $0xb8;
	[tilespmem:$0xC100] =	vst v63  }
0xb8: {  	p0 =	sne.s32 s7, $0x1;
	_ =	swait.ge [sflag:s4], $0xC000  }
.Ltmp0:
0xb9: {  	[sflag:s4] =	ssyncset.done $0x0;
	(pc) =	sbr.rel @p0 .LBB2_1-.Ltmp0, $4  }
0xba: {  	[sflag:s4] =	ssyncadd.s32 $0xFFFF4000  }
0xbb: {  	_ =	swait.ge [sflag:s4], $0xC000  }
0xbc: {  	[sflag:s4] =	ssyncset.done $0x0  }
0xbd: {  	s7 =	sadd.s32 $0xFFFFFFFF, s7;
	[sflag:s4] =	ssyncadd.s32 $0xFFFF4000  }
0xbe: {  	_ =	sfence.sel $0x180000  }
0xbf: {  	[bflag:$0x0] =	sbarrier.arrive $0xFFFF  }
0xc0: {  	_ =	strace $0x90000047  }
0xc1: {  	s0 =	stileid.u32;
	[bflag:$0x2] =	sbarrier.arrive $0xFFFF  }
0xc2: {  	p0 =	sne.s32 s0, $0x0;
	s0 =	rddreg [dreg:$0x2]  }
0xc3: {  	s0 =	sadd.s32 @!p0 $0x100000, s0  }
0xc4: {  	[sflag:s0] =	ssyncadd.tile.s32 @!p0 $0x1;
	_ =	shalt  }
.Lfunc_end2:
_tile_overlayer_lowered:
.L_overlay_start_2:
0xc5: {  	(tag) =	ssettag $0x2  }
0xc6: {  	s0 =	rddreg [dreg:$0x0];
	s2 =	stileid.u32  }
0xc7: {  	s1 =	rddreg [dreg:$0x1];
	p0 =	sne.s32 s2, $0x0  }
0xc8: {  	s3 =	rddreg [dreg:$0x2];
	[bflag:$0x3] =	sbarrier.arrive $0xFFFF;
	s2 =	simm.s32 @!p0 $0x1C02  }
0xc9: {  	[timem:s3], [sflag:s2] =	dma.local @!p0 [hbm:s0], s1  }
0xca: {  	s0 =	simm.s32 @!p0 $0x2  }
0xcb: {  	_ =	swait.ge @!p0 [sflag:s0], s1  }
0xcc: {  	s1 =	ssub.s32 @!p0 $0x0, s1;
	[sflag:s0] =	ssyncset.done @!p0 $0x0  }
0xcd: {  	[sflag:s0] =	ssyncadd.s32 @!p0 s1  }
0xce: {  	[bflag:$0x3] =	sbarrier.arrive $0xFFFF  }
0xcf: {  	_ =	shalt  }

// kernel: kernel.9.cloned.1.call-start
scs
__scs_entry_jumppad:
0x0: {  	(pc) =	sbr.rel $0x88, $3  }
0x1: {  	(tag) =	ssettag $0x0;
	lr =	simm.s32 $0x1  }
0x2: {  	[smem:$0x3F98] =	sst lr;
	_ =	strace $0xD0000000  }
0x3: {  	_ = 	snop  }
0x4: {  	_ = 	snop  }
0x5: {  	_ = 	snop  }
0x6: {  	_ = 	snop  }
0x7: {  	_ = 	snop  }
__scs_overlays_trampoline_lowered:
0x8: {  	[smem:$0x3FA7] =	sst s0  }
0x9: {  	[smem:$0x3FA8] =	sst s1  }
0xa: {  	[smem:$0x3FA9] =	sst s2  }
0xb: {  	[smem:$0x3FAA] =	sst s3  }
0xc: {  	[smem:$0x3FAB] =	sst s4  }
0xd: {  	[smem:$0x3FAC] =	sst s5  }
0xe: {  	[smem:$0x3FAD] =	sst s6  }
0xf: {  	[smem:$0x3FAE] =	sst s7  }
0x10: {  	[smem:$0x3FAF] =	sst s8  }
0x11: {  	[smem:$0x3FB0] =	sst s9;
	s0 =	simm.s32 @!p0 $0x0  }
0x12: {  	s1 =	sld [smem:$0x3F96];
	s0 =	simm.s32 @p0 $0x1  }
0x13: {  	[smem:$0x3FB1] =	sst s0;
	s0 =	simm.s32 @!p1 $0x0  }
0x14: {  	s2 =	sld [smem:$0x3F95];
	s0 =	simm.s32 @p1 $0x1  }
0x15: {  	[smem:$0x3FB2] =	sst s0;
	s0 =	simm.s32 @!p2 $0x0  }
0x16: {  	s3 =	sld [smem:$0x3FDB];
	s0 =	simm.s32 @p2 $0x1  }
0x17: {  	s4 =	simm.s32 $0x1BF5;
	[smem:$0x3FB4] =	sst s0  }
0x18: {  	s0 =	sld [smem:$0x3F97];
	_ =	swait.ge [sflag:s4], $0x0  }
0x19: {  	s7 =	sld [smem:$0x3F98]  }
0x1a: {  	s8 =	sadd.s32 $0xFFFFE003, lr  }
0x1b: {  	s9 =	sadd.s32 $0xFFFFFEF7, lr;
	s5 =	simm.s32 $0xFFFFFFFF;
	p2 =	slt.u32 s8, $0xFFFFF086  }
0x1c: {  	p1 =	slt.u32 s9, $0xF7A;
	s5 =	simm.s32 @!p2 $0x0  }
0x1d: {  	s5 =	simm.s32 @p1 $0x1;
	p0 =	seq.s32 s7, s2  }
0x1e: {  	s7 =	smul.u32 @!p0 $0xF7A, s2;
	p2 =	seq.s32 @!p0 s5, $0x0  }
0x1f: {  	s9 =	smul.u32 $0xF7A, s1;
	s8 =	simm.s32 @!p0 $0x1BF5;
	p2 =	por !p2, p0  }
0x20: {  	[sflag:s8] =	ssyncset.s32 @!p0 $0xFFFFF086;
	s6 =	sadd.s32 @!p0 s3, s7;
	s7 =	simm.s32 @!p0 $0x108  }
0x21: {  	s3 =	sadd.s32 s3, s9;
	s6 =	sadd.s32 @!p0 $0x88, s6;
	s7 =	simm.s32 @p2 $0x1082  }
0x22: {  	[simem:s7], [sflag:s8] =	dma.local @!p0 [hbm:s6], $0xF7A  }
0x23: {  	s9 =	sor.u32 $0xD0000000, s2;
	s6 =	simm.s32 $0x108;
	_ =	swait.ge @!p0 [sflag:s8], $0x0  }
0x24: {  	s3 =	sadd.s32 $0x88, s3;
	s6 =	simm.s32 @!p1 $0x1082;
	[sflag:s4] =	ssyncset.s32 $0xFFFFF086  }
0x25: {  	[simem:s6], [sflag:s4] =	dma.local [hbm:s3], $0xF7A  }
0x26: {  	[smem:$0x3F98] =	sst s1;
	(tag) =	ssettag s2;
	_ =	strace s9  }
0x27: {  	s1 =	sld [smem:$0x3FA8]  }
0x28: {  	s2 =	sld [smem:$0x3FA9]  }
0x29: {  	s4 =	sld [smem:$0x3FAB]  }
0x2a: {  	p0 =	seq.s32 s5, $0x0;
	s5 =	sld [smem:$0x3FAC]  }
0x2b: {  	s6 =	sld [smem:$0x3FAD]  }
0x2c: {  	s7 =	sld [smem:$0x3FAE]  }
0x2d: {  	s3 =	simm.s32 $0x108;
	s8 =	sld [smem:$0x3FAF]  }
0x2e: {  	s3 =	simm.s32 @!p0 $0x1082;
	s9 =	sld [smem:$0x3FB0]  }
0x2f: {  	lr =	sadd.s32 s0, s3;
	s0 =	sld [smem:$0x3FA7]  }
0x30: {  	s3 =	sld [smem:$0x3FAA]  }
0x31: {  	[smem:$0x3FB3] =	sst s10  }
0x32: {  	s10 =	sld [smem:$0x3FB1];
	_ =	sdelay $0x3  }
0x33: {  	p0 =	seq.s32 s10, $0x1;
	s10 =	sld [smem:$0x3FB3];
	_ =	sdelay $0x3  }
0x34: {  	[smem:$0x3FB3] =	sst s10  }
0x35: {  	s10 =	sld [smem:$0x3FB2];
	_ =	sdelay $0x3  }
0x36: {  	p1 =	seq.s32 s10, $0x1;
	s10 =	sld [smem:$0x3FB3];
	_ =	sdelay $0x3  }
0x37: {  	[smem:$0x3FB3] =	sst s10  }
0x38: {  	s10 =	sld [smem:$0x3FB4]  }
0x39: {  	_ = 	snop;
	(pc) =	sbr.ind lr, $3  }
0x3a: {  	_ = 	snop  }
0x3b: {  	_ = 	snop  }
0x3c: {  	p2 =	seq.s32 s10, $0x1;
	s10 =	sld [smem:$0x3FB3]  }
0x3d: {  	_ =	shalt  }
0x3e: {  	_ =	shalt  }
0x3f: {  	_ =	shalt  }
0x40: {  	_ =	shalt  }
0x41: {  	_ =	shalt  }
0x42: {  	_ =	shalt  }
0x43: {  	_ =	shalt  }
0x44: {  	_ =	shalt  }
0x45: {  	_ =	shalt  }
0x46: {  	_ =	shalt  }
0x47: {  	_ =	shalt  }
0x48: {  	_ =	shalt  }
0x49: {  	_ =	shalt  }
0x4a: {  	_ =	shalt  }
0x4b: {  	_ =	shalt  }
0x4c: {  	_ =	shalt  }
0x4d: {  	_ =	shalt  }
0x4e: {  	_ =	shalt  }
0x4f: {  	_ =	shalt  }
0x50: {  	_ =	shalt  }
0x51: {  	_ =	shalt  }
0x52: {  	_ =	shalt  }
0x53: {  	_ =	shalt  }
0x54: {  	_ =	shalt  }
0x55: {  	_ =	shalt  }
0x56: {  	_ =	shalt  }
0x57: {  	_ =	shalt  }
0x58: {  	_ =	shalt  }
0x59: {  	_ =	shalt  }
0x5a: {  	_ =	shalt  }
0x5b: {  	_ =	shalt  }
0x5c: {  	_ =	shalt  }
0x5d: {  	_ =	shalt  }
0x5e: {  	_ =	shalt  }
0x5f: {  	_ =	shalt  }
0x60: {  	_ =	shalt  }
0x61: {  	_ =	shalt  }
0x62: {  	_ =	shalt  }
0x63: {  	_ =	shalt  }
0x64: {  	_ =	shalt  }
0x65: {  	_ =	shalt  }
0x66: {  	_ =	shalt  }
0x67: {  	_ =	shalt  }
0x68: {  	_ =	shalt  }
0x69: {  	_ =	shalt  }
0x6a: {  	_ =	shalt  }
0x6b: {  	_ =	shalt  }
0x6c: {  	_ =	shalt  }
0x6d: {  	_ =	shalt  }
0x6e: {  	_ =	shalt  }
0x6f: {  	_ =	shalt  }
0x70: {  	_ =	shalt  }
0x71: {  	_ =	shalt  }
0x72: {  	_ =	shalt  }
0x73: {  	_ =	shalt  }
0x74: {  	_ =	shalt  }
0x75: {  	_ =	shalt  }
0x76: {  	_ =	shalt  }
0x77: {  	_ =	shalt  }
0x78: {  	_ =	shalt  }
0x79: {  	_ =	shalt  }
0x7a: {  	_ =	shalt  }
0x7b: {  	_ =	shalt  }
0x7c: {  	_ =	shalt  }
0x7d: {  	_ =	shalt  }
0x7e: {  	_ =	shalt  }
0x7f: {  	_ =	shalt  }
0x80: {  	_ =	shalt  }
0x81: {  	_ =	shalt  }
0x82: {  	_ =	shalt  }
0x83: {  	_ =	shalt  }
0x84: {  	_ =	shalt  }
0x85: {  	_ =	shalt  }
0x86: {  	_ =	shalt  }
0x87: {  	_ =	shalt  }
.Lfunc_end0:
.L_simem_size_0:
called_computation.1_lowered:
.L_overlay_start_0:
0x88: {  	s2 =	sld [smem:$0x3FD9]  }
0x89: {  	s3 =	sld [smem:$0x3FFE];
	_ =	sdelay $0x1  }
0x8a: {  	s1 =	srdreg.scid  }
0x8b: {  	s0 =	sand.u32 $0x1, s1  }
0x8c: {  	s14 =	sshll.u32 s0, $0xA;
	s2 =	sadd.s32 s3, s2  }
0x8d: {  	s2 =	sadd.s32 s2, s14  }
0x8e: {  	[smem:$0x3FBF] =	sst s2  }
0x8f: {  	_ = 	snop  }
0x90: {  	s2 =	sld [smem:$0x3FD0];
	_ =	sdelay $0x2  }
0x91: {  	s15 =	simm.s32 $0xA;
	s4 =	simm.s32 $0x10  }
0x92: {  	[smem:s4], [sflag:s15] =	dma.local [hbm:s2], $0x1  }
0x93: {  	_ =	swait.eq [sflag:s15], $0x1  }
0x94: {  	[sflag:s15] =	ssyncset.done $0x0  }
0x95: {  	[sflag:s15] =	ssyncadd.s32 $0xFFFFFFFF  }
0x96: {  	s16 =	sld [smem:$0x10];
	(tm) =	ssettm $0x1  }
0x97: {  	s17 =	sld [smem:$0x3FFB];
	_ =	sdelay $0x3  }
0x98: {  	_ =	strace s17  }
0x99: {  	s3 =	sld [smem:$0x3FFC];
	_ =	sdelay $0x3  }
0x9a: {  	_ =	strace s3  }
0x9b: {  	s3 =	sld [smem:$0x3FFD];
	_ =	sdelay $0x3  }
0x9c: {  	_ =	strace s3  }
0x9d: {  	_ =	strace $0x8FFFFFFF  }
0x9e: {  	s18 =	sld [smem:$0x3FDB];
	_ =	sdelay $0x1  }
0x9f: {  	s19 =	simm.s32 $_scs_section_size  }
0xa0: {  	s5 =	simm.s32 $_size__tile_overlayer_lowered;
	s6 =	simm.s32 $_tile_overlayer_lowered  }
0xa1: {  	s22 =	simm.s32 $0x1BFF;
	s21 =	sshll.u32 s6, $0x1;
	s3 =	sadd.s32 s19, s18  }
0xa2: {  	s7 =	simm.s32 $0x0;
	s20 =	sshll.u32 s5, $0x1;
	s5 =	sadd.s32 s21, s3  }
0xa3: {  	[timem:s7], [sflag:s22] =	dma.local [hbm:s5], s20  }
0xa4: {  	_ =	swait.ge [sflag:s22], s20  }
0xa5: {  	s4 =	ssub.s32 $0x0, s20;
	[sflag:s22] =	ssyncset.done $0x0  }
0xa6: {  	[sflag:s22] =	ssyncadd.s32 s4;
	_ =	sdelay $0x1  }
0xa7: {  	s23 =	simm.s32 $0x1B8B  }
0xa8: {  	_ =	swait.ge [sflag:s23], $0x1  }
0xa9: {  	[sflag:s23] =	ssyncset.done $0x0  }
0xaa: {  	s25 =	simm.s32 $0x1B8E;
	s24 =	sld [smem:$0x3FFE];
	[sflag:s23] =	ssyncadd.s32 $0xFFFFFFFF  }
0xab: {  	s26 =	simm.s32 $execute0_lowered;
	[smem:$0x3FD2] =	sst s25  }
0xac: {  	s5 =	sshll.u32 s26, $0x1;
	_ =	strace $0x80000049;
	[dreg:$0x1] =	wrdreg $0xFFFFFFFF  }
0xad: {  	s28 =	simm.s32 $_size_execute0_lowered;
	s3 =	sadd.s32 s3, s5;
	[dreg:$0x0] =	wrdreg $0x0  }
0xae: {  	s5 =	sshll.u32 s28, $0x1;
	[dreg:$0x2] =	wrdreg s3  }
0xaf: {  	[dreg:$0x3] =	wrdreg s5  }
0xb0: {  	[dreg:$0x4] =	wrdreg $0xC0  }
0xb1: {  	_ =	task [dreg:s7], $0x5FFFF  }
0xb2: {  	[dreg:$0x1] =	wrdreg $0xFFFFFFFF  }
0xb3: {  	[dreg:$0x0] =	wrdreg $0x60  }
0xb4: {  	[dreg:$0x2] =	wrdreg s24  }
0xb5: {  	[dreg:$0x3] =	wrdreg s16  }
0xb6: {  	[dreg:$0x4] =	wrdreg $0x9  }
0xb7: {  	_ =	task.clear_ibuf [dreg:s7], $0x5FFFF;
	_ =	strace $0x90000049  }
0xb8: {  	s29 =	simm.s32 $0x9;
	_ =	strace $0x8000004B  }
0xb9: {  	_ =	swait.ge [sflag:s29], $0x1  }
0xba: {  	[sflag:s29] =	ssyncadd.s32 $0xFFFFFFFF  }
0xbb: {  	_ =	strace $0x9000004B  }
0xbc: {  	_ =	sfence  }
0xbd: {  	s30 =	sld [smem:$0x0];
	_ =	sdelay $0x2  }
0xbe: {  	s31 =	sshll.u32 s1, $0xD;
	s1 =	sshrl.u32 s1, $0x2  }
0xbf: {  	s3 =	sand.u32 $0x4000, s31;
	s1 =	sadd.s32 s1, s30  }
0xc0: {  	s0 =	sor.u32 s3, s0;
	s1 =	sshll.u32 s1, $0x11  }
0xc1: {  	s0 =	sor.u32 s1, s0  }
0xc2: {  	s0 =	sadd.s32 $0x8F2B, s0  }
0xc3: {  	[sflag:s0] =	ssyncadd.remote.s32 $0x1  }
0xc4: {  	_ =	sfence.sel $0xFFFF  }
0xc5: {  	[dreg:$0x0] =	wrdreg $0xFFFFFFFF;
	(pc) =	sbr.abs _section_cstart, $3  }
0xc6: {  	[dreg:$0x1] =	wrdreg $0xFFFFFFFF  }
0xc7: {  	_ =	task.clear_ibuf [dreg:s7], $0x2FFFF;
	_ =	strace $0x9FFFFFFF  }
0xc8: {  	(tm) =	ssettm $0x7FFFFFFF  }
0xc9: {  	_ =	shalt  }
tec
execute0_lowered:
.L_overlay_start_1:
0x0: {  	(tag) =	ssettag $0x1  }
0x1: {  	s0 =	rddreg [dreg:$0x0]  }
0x2: {  	s1 =	rddreg [dreg:$0x1]  }
0x3: {  	s3 =	srdreg.scid;
	s2 =	simm.s32 $0x0;
	s4 =	stileid.u32  }
0x4: {  	s10 =	simm.s32 $0x3;
	s12 =	simm.s32 $0x100;
	s29 =	simm.s32 $0x12900  }
0x5: {  	s30 =	simm.s32 $0x13100;
	s31 =	simm.s32 $0x13900;
	s11 =	simm.s32 $0x15100  }
0x6: {  	s13 =	simm.s32 $0x15900;
	s14 =	simm.s32 $0x16100;
	s15 =	simm.s32 $0x16900  }
0x7: {  	s16 =	simm.s32 $0x17100;
	s17 =	simm.s32 $0x17900;
	s18 =	simm.s32 $0x1  }
0x8: {  	s19 =	simm.s32 $0x2;
	s20 =	simm.s32 $0x0;
	s3 =	sand.u32 $0x1, s3  }
0x9: {  	[smem:$0x7FF] =	sst s2;
	s4 =	sshll.u32 s4, $0x4;
	s5 =	sshll.u32 s3, $0x3  }
0xa: {  	s7 =	sadd.s32 $0x600, s0;
	s6 =	ssub.s32 $0x2, s3;
	s4 =	sor.u32 s5, s4  }
0xb: {  	_ =	strace $0x8000004A;
	s28 =	sshrl.u32 s6, $0x1;
	s3 =	sadd.s32 s0, s4  }
0xc: {  	v2 =	vlaneseq.u32;
	s8 =	smul.u32 $0x300, s4;
	s4 =	sadd.s32 $0x400, s0;
	s9 =	ssub.s32 s6, s28  }
0xd: {  	vm0 =	vmmov $0xffff;
	v1 =	vshrl.u32 v2, $0x3;
	s6 =	sadd.s32 $0x500, s0;
	s0 =	simm.s32 $0x14100;
	s5 =	sadd.s32 $0x200, s3  }
0xe: {  	v0 =	vand.u32 $0x7, v2;
	v2 =	vor.u32 $0x8, v2;
	v1 =	vmul.u32 $0x8, v1;
	s9 =	smax.u32 s9, $0x1;
	s8 =	sadd.s32 s1, s8;
	s1 =	simm.s32 $0x14900  }
.LBB2_1:
0xf: {  	[tilespmem:s2], [sflag:$0x3] =	stream.linear.gather [hbm4b:s5+s2], $0x40, $0x38;
	[tilespmem:$0x18100] =	vst v63  }
0x10: {  	_ =	swait.ge [sflag:s10], $0x40  }
0x11: {  	[sflag:s10] =	ssyncset.done $0x0  }
0x12: {  	s21 =	simm.s32 $0x80;
	[sflag:s10] =	ssyncadd.s32 $0xFFFFFFC0  }
0x13: {  	[tilespmem:s21], [sflag:$0x3] =	stream.linear.gather [hbm4b:s3+s2], $0x40, $0x38;
	[tilespmem:$0x18100] =	vst v63  }
0x14: {  	_ =	swait.ge [sflag:s10], $0x40  }
0x15: {  	[sflag:s10] =	ssyncset.done $0x0  }
0x16: {  	[sflag:s10] =	ssyncadd.s32 $0xFFFFFFC0  }
0x17: {  	v3 =	vld [tilespmem:$0x0];
	_ =	sdelay $0x4  }
0x18: {  	v4 =	vshrl.u32 v3, $0x3  }
0x19: {  	v4 =	vmul.u32 $0x30, v4  }
0x1a: {  	v3 =	vand.u32 $0x7, v3  }
0x1b: {  	v3 =	vor.u32 v3, v4  }
0x1c: {  	v4 =	vperm.xlane v3, v0;
	_ =	sdelay $0x1  }
0x1d: {  	v4 =	vadd.s32 v1, v4;
	_ =	sdelay $0x3  }
0x1e: {  	v3 =	vperm.xlane v3, v2  }
0x1f: {  	[tilespmem:s12], [sflag:$0x1] =	stream.indirect_vreg.gather [hbm4b:s4+s2], $0x80, v4, vm0, $0xb8;
	[tilespmem:$0x18100] =	vst v63  }
0x20: {  	s22 =	simm.s32 $0x900;
	v3 =	vadd.s32 v1, v3  }
0x21: {  	[tilespmem:s22], [sflag:$0x1] =	stream.indirect_vreg.gather [hbm4b:s6+s2], $0x80, v4, vm0, $0xb8;
	[tilespmem:$0x18100] =	vst v63  }
0x22: {  	s23 =	simm.s32 $0x1100  }
0x23: {  	[tilespmem:s23], [sflag:$0x1] =	stream.indirect_vreg.gather [hbm4b:s7+s2], $0x80, v4, vm0, $0xb8;
	[tilespmem:$0x18100] =	vst v63  }
0x24: {  	s24 =	simm.s32 $0x1900  }
0x25: {  	[tilespmem:s24], [sflag:$0x1] =	stream.indirect_vreg.gather [hbm4b:s4+s2], $0x80, v3, vm0, $0xb8;
	[tilespmem:$0x18100] =	vst v63  }
0x26: {  	s25 =	simm.s32 $0x2100  }
0x27: {  	[tilespmem:s25], [sflag:$0x1] =	stream.indirect_vreg.gather [hbm4b:s6+s2], $0x80, v3, vm0, $0xb8;
	[tilespmem:$0x18100] =	vst v63  }
0x28: {  	s26 =	simm.s32 $0x2900  }
0x29: {  	[tilespmem:s26], [sflag:$0x1] =	stream.indirect_vreg.gather [hbm4b:s7+s2], $0x80, v3, vm0, $0xb8;
	[tilespmem:$0x18100] =	vst v63  }
0x2a: {  	v3 =	vld [tilespmem:$0x10];
	_ =	sdelay $0x4  }
0x2b: {  	v57 =	vshrl.u32 v3, $0x3  }
0x2c: {  	v4 =	vmul.u32 $0x30, v57  }
0x2d: {  	v3 =	vand.u32 $0x7, v3  }
0x2e: {  	v3 =	vor.u32 v3, v4  }
0x2f: {  	v4 =	vperm.xlane v3, v0;
	_ =	sdelay $0x1  }
0x30: {  	v4 =	vadd.s32 v1, v4;
	_ =	sdelay $0x3  }
0x31: {  	s28 =	simm.s32 $0x3100;
	v3 =	vperm.xlane v3, v2  }
0x32: {  	[tilespmem:s28], [sflag:$0x1] =	stream.indirect_vreg.gather [hbm4b:s4+s2], $0x80, v4, vm0, $0xb8;
	[tilespmem:$0x18100] =	vst v63  }
0x33: {  	s22 =	simm.s32 $0x3900;
	v3 =	vadd.s32 v1, v3  }
0x34: {  	[tilespmem:s22], [sflag:$0x1] =	stream.indirect_vreg.gather [hbm4b:s6+s2], $0x80, v4, vm0, $0xb8;
	[tilespmem:$0x18100] =	vst v63  }
0x35: {  	s23 =	simm.s32 $0x4100  }
0x36: {  	[tilespmem:s23], [sflag:$0x1] =	stream.indirect_vreg.gather [hbm4b:s7+s2], $0x80, v4, vm0, $0xb8;
	[tilespmem:$0x18100] =	vst v63  }
0x37: {  	s24 =	simm.s32 $0x4900  }
0x38: {  	[tilespmem:s24], [sflag:$0x1] =	stream.indirect_vreg.gather [hbm4b:s4+s2], $0x80, v3, vm0, $0xb8;
	[tilespmem:$0x18100] =	vst v63  }
0x39: {  	s25 =	simm.s32 $0x5100  }
0x3a: {  	[tilespmem:s25], [sflag:$0x1] =	stream.indirect_vreg.gather [hbm4b:s6+s2], $0x80, v3, vm0, $0xb8;
	[tilespmem:$0x18100] =	vst v63  }
0x3b: {  	s26 =	simm.s32 $0x5900  }
0x3c: {  	[tilespmem:s26], [sflag:$0x1] =	stream.indirect_vreg.gather [hbm4b:s7+s2], $0x80, v3, vm0, $0xb8;
	[tilespmem:$0x18100] =	vst v63  }
0x3d: {  	v3 =	vld [tilespmem:$0x20];
	_ =	sdelay $0x4  }
0x3e: {  	v58 =	vshrl.u32 v3, $0x3  }
0x3f: {  	v4 =	vmul.u32 $0x30, v58  }
0x40: {  	v3 =	vand.u32 $0x7, v3  }
0x41: {  	v3 =	vor.u32 v3, v4  }
0x42: {  	v4 =	vperm.xlane v3, v0;
	_ =	sdelay $0x1  }
0x43: {  	v4 =	vadd.s32 v1, v4;
	_ =	sdelay $0x3  }
0x44: {  	s28 =	simm.s32 $0x6100;
	v3 =	vperm.xlane v3, v2  }
0x45: {  	[tilespmem:s28], [sflag:$0x1] =	stream.indirect_vreg.gather [hbm4b:s4+s2], $0x80, v4, vm0, $0xb8;
	[tilespmem:$0x18100] =	vst v63  }
0x46: {  	s22 =	simm.s32 $0x6900;
	v3 =	vadd.s32 v1, v3  }
0x47: {  	[tilespmem:s22], [sflag:$0x1] =	stream.indirect_vreg.gather [hbm4b:s6+s2], $0x80, v4, vm0, $0xb8;
	[tilespmem:$0x18100] =	vst v63  }
0x48: {  	s23 =	simm.s32 $0x7100  }
0x49: {  	[tilespmem:s23], [sflag:$0x1] =	stream.indirect_vreg.gather [hbm4b:s7+s2], $0x80, v4, vm0, $0xb8;
	[tilespmem:$0x18100] =	vst v63  }
0x4a: {  	s24 =	simm.s32 $0x7900  }
0x4b: {  	[tilespmem:s24], [sflag:$0x1] =	stream.indirect_vreg.gather [hbm4b:s4+s2], $0x80, v3, vm0, $0xb8;
	[tilespmem:$0x18100] =	vst v63  }
0x4c: {  	s25 =	simm.s32 $0x8100  }
0x4d: {  	[tilespmem:s25], [sflag:$0x1] =	stream.indirect_vreg.gather [hbm4b:s6+s2], $0x80, v3, vm0, $0xb8;
	[tilespmem:$0x18100] =	vst v63  }
0x4e: {  	s26 =	simm.s32 $0x8900  }
0x4f: {  	[tilespmem:s26], [sflag:$0x1] =	stream.indirect_vreg.gather [hbm4b:s7+s2], $0x80, v3, vm0, $0xb8;
	[tilespmem:$0x18100] =	vst v63  }
0x50: {  	v3 =	vld [tilespmem:$0x30];
	_ =	sdelay $0x4  }
0x51: {  	v59 =	vshrl.u32 v3, $0x3  }
0x52: {  	v4 =	vmul.u32 $0x30, v59  }
0x53: {  	v3 =	vand.u32 $0x7, v3  }
0x54: {  	v3 =	vor.u32 v3, v4  }
0x55: {  	v4 =	vperm.xlane v3, v0;
	_ =	sdelay $0x1  }
0x56: {  	v4 =	vadd.s32 v1, v4;
	_ =	sdelay $0x3  }
0x57: {  	s28 =	simm.s32 $0x9100;
	v3 =	vperm.xlane v3, v2  }
0x58: {  	[tilespmem:s28], [sflag:$0x1] =	stream.indirect_vreg.gather [hbm4b:s4+s2], $0x80, v4, vm0, $0xb8;
	[tilespmem:$0x18100] =	vst v63  }
0x59: {  	s22 =	simm.s32 $0x9900;
	v3 =	vadd.s32 v1, v3  }
0x5a: {  	[tilespmem:s22], [sflag:$0x1] =	stream.indirect_vreg.gather [hbm4b:s6+s2], $0x80, v4, vm0, $0xb8;
	[tilespmem:$0x18100] =	vst v63  }
0x5b: {  	s23 =	simm.s32 $0xA100  }
0x5c: {  	[tilespmem:s23], [sflag:$0x1] =	stream.indirect_vreg.gather [hbm4b:s7+s2], $0x80, v4, vm0, $0xb8;
	[tilespmem:$0x18100] =	vst v63  }
0x5d: {  	s24 =	simm.s32 $0xA900  }
0x5e: {  	[tilespmem:s24], [sflag:$0x1] =	stream.indirect_vreg.gather [hbm4b:s4+s2], $0x80, v3, vm0, $0xb8;
	[tilespmem:$0x18100] =	vst v63  }
0x5f: {  	s25 =	simm.s32 $0xB100  }
0x60: {  	[tilespmem:s25], [sflag:$0x1] =	stream.indirect_vreg.gather [hbm4b:s6+s2], $0x80, v3, vm0, $0xb8;
	[tilespmem:$0x18100] =	vst v63  }
0x61: {  	s26 =	simm.s32 $0xB900  }
0x62: {  	[tilespmem:s26], [sflag:$0x1] =	stream.indirect_vreg.gather [hbm4b:s7+s2], $0x80, v3, vm0, $0xb8;
	[tilespmem:$0x18100] =	vst v63  }
0x63: {  	v3 =	vld [tilespmem:$0x80];
	_ =	sdelay $0x4  }
0x64: {  	v60 =	vshrl.u32 v3, $0x3  }
0x65: {  	v4 =	vmul.u32 $0x30, v60  }
0x66: {  	v3 =	vand.u32 $0x7, v3  }
0x67: {  	v3 =	vor.u32 v3, v4  }
0x68: {  	v4 =	vperm.xlane v3, v0;
	_ =	sdelay $0x1  }
0x69: {  	v4 =	vadd.s32 v1, v4;
	_ =	sdelay $0x3  }
0x6a: {  	s28 =	simm.s32 $0xC100;
	v3 =	vperm.xlane v3, v2  }
0x6b: {  	[tilespmem:s28], [sflag:$0x2] =	stream.indirect_vreg.gather [hbm4b:s4+s2], $0x80, v4, vm0, $0xb8;
	[tilespmem:$0x18100] =	vst v63  }
0x6c: {  	s22 =	simm.s32 $0xC900;
	v3 =	vadd.s32 v1, v3  }
0x6d: {  	[tilespmem:s22], [sflag:$0x2] =	stream.indirect_vreg.gather [hbm4b:s6+s2], $0x80, v4, vm0, $0xb8;
	[tilespmem:$0x18100] =	vst v63  }
0x6e: {  	s23 =	simm.s32 $0xD100  }
0x6f: {  	[tilespmem:s23], [sflag:$0x2] =	stream.indirect_vreg.gather [hbm4b:s7+s2], $0x80, v4, vm0, $0xb8;
	[tilespmem:$0x18100] =	vst v63  }
0x70: {  	s24 =	simm.s32 $0xD900  }
0x71: {  	[tilespmem:s24], [sflag:$0x2] =	stream.indirect_vreg.gather [hbm4b:s4+s2], $0x80, v3, vm0, $0xb8;
	[tilespmem:$0x18100] =	vst v63  }
0x72: {  	s25 =	simm.s32 $0xE100  }
0x73: {  	[tilespmem:s25], [sflag:$0x2] =	stream.indirect_vreg.gather [hbm4b:s6+s2], $0x80, v3, vm0, $0xb8;
	[tilespmem:$0x18100] =	vst v63  }
0x74: {  	s26 =	simm.s32 $0xE900  }
0x75: {  	[tilespmem:s26], [sflag:$0x2] =	stream.indirect_vreg.gather [hbm4b:s7+s2], $0x80, v3, vm0, $0xb8;
	[tilespmem:$0x18100] =	vst v63  }
0x76: {  	v3 =	vld [tilespmem:$0x90];
	_ =	sdelay $0x4  }
0x77: {  	v61 =	vshrl.u32 v3, $0x3  }
0x78: {  	v4 =	vmul.u32 $0x30, v61  }
0x79: {  	v3 =	vand.u32 $0x7, v3  }
0x7a: {  	v3 =	vor.u32 v3, v4  }
0x7b: {  	v4 =	vperm.xlane v3, v0;
	_ =	sdelay $0x1  }
0x7c: {  	v4 =	vadd.s32 v1, v4;
	_ =	sdelay $0x3  }
0x7d: {  	s28 =	simm.s32 $0xF100;
	v3 =	vperm.xlane v3, v2  }
0x7e: {  	[tilespmem:s28], [sflag:$0x2] =	stream.indirect_vreg.gather [hbm4b:s4+s2], $0x80, v4, vm0, $0xb8;
	[tilespmem:$0x18100] =	vst v63  }
0x7f: {  	s22 =	simm.s32 $0xF900;
	v3 =	vadd.s32 v1, v3  }
0x80: {  	[tilespmem:s22], [sflag:$0x2] =	stream.indirect_vreg.gather [hbm4b:s6+s2], $0x80, v4, vm0, $0xb8;
	[tilespmem:$0x18100] =	vst v63  }
0x81: {  	s23 =	simm.s32 $0x10100  }
0x82: {  	[tilespmem:s23], [sflag:$0x2] =	stream.indirect_vreg.gather [hbm4b:s7+s2], $0x80, v4, vm0, $0xb8;
	[tilespmem:$0x18100] =	vst v63  }
0x83: {  	s24 =	simm.s32 $0x10900  }
0x84: {  	[tilespmem:s24], [sflag:$0x2] =	stream.indirect_vreg.gather [hbm4b:s4+s2], $0x80, v3, vm0, $0xb8;
	[tilespmem:$0x18100] =	vst v63  }
0x85: {  	s25 =	simm.s32 $0x11100  }
0x86: {  	[tilespmem:s25], [sflag:$0x2] =	stream.indirect_vreg.gather [hbm4b:s6+s2], $0x80, v3, vm0, $0xb8;
	[tilespmem:$0x18100] =	vst v63  }
0x87: {  	s26 =	simm.s32 $0x11900  }
0x88: {  	[tilespmem:s26], [sflag:$0x2] =	stream.indirect_vreg.gather [hbm4b:s7+s2], $0x80, v3, vm0, $0xb8;
	[tilespmem:$0x18100] =	vst v63  }
0x89: {  	v3 =	vld [tilespmem:$0xA0];
	_ =	sdelay $0x4  }
0x8a: {  	v62 =	vshrl.u32 v3, $0x3  }
0x8b: {  	v4 =	vmul.u32 $0x30, v62  }
0x8c: {  	v3 =	vand.u32 $0x7, v3  }
0x8d: {  	v3 =	vor.u32 v3, v4  }
0x8e: {  	v4 =	vperm.xlane v3, v0;
	_ =	sdelay $0x1  }
0x8f: {  	v4 =	vadd.s32 v1, v4;
	_ =	sdelay $0x3  }
0x90: {  	s28 =	simm.s32 $0x12100;
	v3 =	vperm.xlane v3, v2  }
0x91: {  	[tilespmem:s28], [sflag:$0x2] =	stream.indirect_vreg.gather [hbm4b:s4+s2], $0x80, v4, vm0, $0xb8;
	[tilespmem:$0x18100] =	vst v63  }
0x92: {  	v3 =	vadd.s32 v1, v3  }
0x93: {  	[tilespmem:s29], [sflag:$0x2] =	stream.indirect_vreg.gather [hbm4b:s6+s2], $0x80, v4, vm0, $0xb8;
	[tilespmem:$0x18100] =	vst v63  }
0x94: {  	_ = 	snop  }
0x95: {  	[tilespmem:s30], [sflag:$0x2] =	stream.indirect_vreg.gather [hbm4b:s7+s2], $0x80, v4, vm0, $0xb8;
	[tilespmem:$0x18100] =	vst v63  }
0x96: {  	_ = 	snop  }
0x97: {  	[tilespmem:s31], [sflag:$0x2] =	stream.indirect_vreg.gather [hbm4b:s4+s2], $0x80, v3, vm0, $0xb8;
	[tilespmem:$0x18100] =	vst v63  }
0x98: {  	_ = 	snop  }
0x99: {  	[tilespmem:s0], [sflag:$0x2] =	stream.indirect_vreg.gather [hbm4b:s6+s2], $0x80, v3, vm0, $0xb8;
	[tilespmem:$0x18100] =	vst v63  }
0x9a: {  	_ = 	snop  }
0x9b: {  	[tilespmem:s1], [sflag:$0x2] =	stream.indirect_vreg.gather [hbm4b:s7+s2], $0x80, v3, vm0, $0xb8;
	[tilespmem:$0x18100] =	vst v63  }
0x9c: {  	v3 =	vld [tilespmem:$0xB0];
	_ =	sdelay $0x4  }
0x9d: {  	v63 =	vshrl.u32 v3, $0x3  }
0x9e: {  	v4 =	vmul.u32 $0x30, v63  }
0x9f: {  	v3 =	vand.u32 $0x7, v3  }
0xa0: {  	v3 =	vor.u32 v3, v4  }
0xa1: {  	v4 =	vperm.xlane v3, v0;
	_ =	sdelay $0x1  }
0xa2: {  	v4 =	vadd.s32 v1, v4;
	_ =	sdelay $0x3  }
0xa3: {  	v3 =	vperm.xlane v3, v2  }
0xa4: {  	[tilespmem:s11], [sflag:$0x2] =	stream.indirect_vreg.gather [hbm4b:s4+s2], $0x80, v4, vm0, $0xb8;
	[tilespmem:$0x18100] =	vst v63  }
0xa5: {  	v3 =	vadd.s32 v1, v3  }
0xa6: {  	[tilespmem:s13], [sflag:$0x2] =	stream.indirect_vreg.gather [hbm4b:s6+s2], $0x80, v4, vm0, $0xb8;
	[tilespmem:$0x18100] =	vst v63  }
0xa7: {  	_ = 	snop  }
0xa8: {  	[tilespmem:s14], [sflag:$0x2] =	stream.indirect_vreg.gather [hbm4b:s7+s2], $0x80, v4, vm0, $0xb8;
	[tilespmem:$0x18100] =	vst v63  }
0xa9: {  	_ = 	snop  }
0xaa: {  	[tilespmem:s15], [sflag:$0x2] =	stream.indirect_vreg.gather [hbm4b:s4+s2], $0x80, v3, vm0, $0xb8;
	[tilespmem:$0x18100] =	vst v63  }
0xab: {  	_ = 	snop  }
0xac: {  	[tilespmem:s16], [sflag:$0x2] =	stream.indirect_vreg.gather [hbm4b:s6+s2], $0x80, v3, vm0, $0xb8;
	[tilespmem:$0x18100] =	vst v63  }
0xad: {  	_ = 	snop  }
0xae: {  	[tilespmem:s17], [sflag:$0x2] =	stream.indirect_vreg.gather [hbm4b:s7+s2], $0x80, v3, vm0, $0xb8;
	[tilespmem:$0x18100] =	vst v63  }
0xaf: {  	_ =	swait.ge [sflag:s18], $0xC000  }
0xb0: {  	[sflag:s18] =	ssyncset.done $0x0  }
0xb1: {  	[sflag:s18] =	ssyncadd.s32 $0xFFFF4000  }
0xb2: {  	_ =	swait.ge [sflag:s19], $0xC000  }
0xb3: {  	[sflag:s19] =	ssyncset.done $0x0  }
0xb4: {  	s21 =	simm.s32 $0x0;
	[sflag:s19] =	ssyncadd.s32 $0xFFFF4000  }
.LBB2_2:
0xb5: {  	s22 =	sshrl.u32 s21, $0x3  }
0xb6: {  	s23 =	sshll.u32 s21, $0x7;
	s22 =	smul.u32 $0x1800, s22  }
0xb7: {  	s24 =	simm.s32 $0x0;
	s23 =	sand.u32 $0x380, s23  }
0xb8: {  	s26 =	sand.u32 $0x1C00, s24;
	s22 =	sor.u32 s23, s22  }
0xb9: {  	s24 =	sand.u32 $0x70, s24;
	s23 =	sadd.s32 s22, s26  }
0xba: {  	s23 =	sor.u32 s24, s23  }
0xbb: {  	v3 =	vld [tilespmem:s23+$0xC100]  }
0xbc: {  	v4 =	vld [tilespmem:s23+$0x100];
	_ =	sdelay $0x2  }
0xbd: {  	s24 =	simm.s32 $0x80  }
0xbe: {  	s25 =	simm.s32 $0x10;
	s28 =	sand.u32 $0x1C00, s24  }
0xbf: {  	s26 =	sand.u32 $0x70, s25;
	s25 =	simm.s32 $0x20;
	s28 =	sadd.s32 s22, s28;
	v3 =	vadd.f32 v3, v4  }
.LBB2_3:
0xc0: {  	p0 =	sne.s32 s25, $0x2F0;
	s26 =	sor.u32 s26, s28  }
0xc1: {  	v4 =	vld [tilespmem:s26+$0xC100];
	[tilespmem:s23+$0x100] =	vst v3;
	s23 =	smov.u32 s26  }
0xc2: {  	v3 =	vld [tilespmem:s23+$0x100]  }
.Ltmp0:
0xc3: {  	(pc) =	sbr.rel @p0 .LBB2_3-.Ltmp0, $4  }
0xc4: {  	_ = 	snop  }
0xc5: {  	s24 =	sadd.s32 $0x80, s24  }
0xc6: {  	s28 =	sand.u32 $0x1C00, s24  }
0xc7: {  	s26 =	sand.u32 $0x70, s25;
	s25 =	sadd.s32 $0x10, s25;
	s28 =	sadd.s32 s22, s28;
	v3 =	vadd.f32 v4, v3  }
0xc8: {  	s22 =	sor.u32 s26, s28  }
0xc9: {  	v4 =	vld [tilespmem:s22+$0xC100];
	[tilespmem:s23+$0x100] =	vst v3  }
0xca: {  	v3 =	vld [tilespmem:s22+$0x100]  }
0xcb: {  	s21 =	sadd.s32 $0x1, s21  }
0xcc: {  	p0 =	sne.s32 s21, $0x40  }
.Ltmp1:
0xcd: {  	_ = 	snop;
	(pc) =	sbr.rel @p0 .LBB2_2-.Ltmp1, $3  }
0xce: {  	_ = 	snop  }
0xcf: {  	v3 =	vadd.f32 v4, v3;
	_ =	sdelay $0x1  }
0xd0: {  	[tilespmem:s22+$0x100] =	vst v3  }
0xd1: {  	s20 =	sadd.s32 $0x1, s20  }
0xd2: {  	p0 =	sne.s32 s20, s9  }
.Ltmp2:
0xd3: {  	_ = 	snop;
	(pc) =	sbr.rel @p0 .LBB2_1-.Ltmp2, $4  }
0xd4: {  	[hbm4b:s8+s2] =	stream.linear.scatter [tilespmem:s12], [sflag:$0x3], $0xC000, $0x38;
	[tilespmem:$0x18100] =	vst v63  }
0xd5: {  	_ =	swait.ge [sflag:s10], $0xC000  }
0xd6: {  	[sflag:s10] =	ssyncset.done $0x0  }
0xd7: {  	[sflag:s10] =	ssyncadd.s32 $0xFFFF4000  }
0xd8: {  	_ =	sfence.sel $0x180000  }
0xd9: {  	[bflag:$0x0] =	sbarrier.arrive $0xFFFF  }
0xda: {  	_ =	strace $0x9000004A  }
0xdb: {  	s0 =	stileid.u32;
	[bflag:$0x2] =	sbarrier.arrive $0xFFFF  }
0xdc: {  	p0 =	sne.s32 s0, $0x0;
	s0 =	rddreg [dreg:$0x2]  }
0xdd: {  	s0 =	sadd.s32 @!p0 $0x100000, s0  }
0xde: {  	[sflag:s0] =	ssyncadd.tile.s32 @!p0 $0x1;
	_ =	shalt  }
.Lfunc_end2:
_tile_overlayer_lowered:
.L_overlay_start_2:
0xdf: {  	(tag) =	ssettag $0x2  }
0xe0: {  	s0 =	rddreg [dreg:$0x0];
	s2 =	stileid.u32  }
0xe1: {  	s1 =	rddreg [dreg:$0x1];
	p0 =	sne.s32 s2, $0x0  }
0xe2: {  	s3 =	rddreg [dreg:$0x2];
	[bflag:$0x3] =	sbarrier.arrive $0xFFFF;
	s2 =	simm.s32 @!p0 $0x1C03  }
0xe3: {  	[timem:s3], [sflag:s2] =	dma.local @!p0 [hbm:s0], s1  }
0xe4: {  	s0 =	simm.s32 @!p0 $0x3  }
0xe5: {  	_ =	swait.ge @!p0 [sflag:s0], s1  }
0xe6: {  	s1 =	ssub.s32 @!p0 $0x0, s1;
	[sflag:s0] =	ssyncset.done @!p0 $0x0  }
0xe7: {  	[sflag:s0] =	ssyncadd.s32 @!p0 s1  }
0xe8: {  	[bflag:$0x3] =	sbarrier.arrive $0xFFFF  }
0xe9: {  	_ =	shalt  }

</sc_bundles>
